<compile_context>
chip_gen: v7x
topology: tpu7x:2x2x1
jax: 0.10.2.dev20260603
libtpu: 0.0.44.dev20260713+nightly
codegen_flags: <defaults>
</compile_context>

<pallas_src>
import functools

import jax
import jax.numpy as jnp
from jax import lax
from jax.experimental import pallas as pl
from jax.experimental.pallas import tpu as pltpu, tpu_sc as plsc

N = 10000
D = 128
E = 320000

NC = 2
NS = 16
NW = NC * NS
CHB = 125
NCH = 80
PH = 2
PCH = NCH // PH
N_ACC = 10112
RPT = N_ACC // NS
ZCH = (120, 120, 120, 120, 120, 32)


def _xpw_body(x_ref, p_ref, w_ref, o_ref):
    o_ref[...] = jnp.dot(x_ref[...] * p_ref[...][:, None], w_ref[...],
                         preferred_element_type=jnp.float32)


def _xpw(x, p, W):
    blk = 1024
    return pl.pallas_call(
        _xpw_body,
        grid=(pl.cdiv(N, blk),),
        in_specs=[
            pl.BlockSpec((blk, D), lambda i: (i, 0)),
            pl.BlockSpec((blk,), lambda i: (i,)),
            pl.BlockSpec((D, D), lambda i: (0, 0)),
        ],
        out_specs=pl.BlockSpec((blk, D), lambda i: (i, 0)),
        out_shape=jax.ShapeDtypeStruct((N, D), jnp.float32),
    )(x, p, W)


def _sc_body(y_hbm, ei_hbm, zeros_hbm, out_hbm,
             i2s, i2d, buf0, buf1, acc, gsem0, gsem1):
    c = lax.axis_index("c")
    s = lax.axis_index("s")
    w = s * NC + c
    gbufs = (buf0, buf1)
    gsems = (gsem0, gsem1)

    with jax.named_scope("zero_acc"):
        pltpu.sync_copy(zeros_hbm, buf0.at[pl.ds(0, ZCH[0])])
        r0 = s * RPT
        for z in ZCH:
            pltpu.sync_copy(buf0.at[pl.ds(0, z)], acc.at[pl.ds(r0, z)])
            r0 += z

    plsc.subcore_barrier()

    def gather(j, b):
        pltpu.async_copy(y_hbm.at[i2s.at[j]], gbufs[b], gsems[b])

    def gwait(b):
        pltpu.make_async_copy(y_hbm.at[i2s.at[0]], gbufs[b],
                              gsems[b]).wait()

    def scatter(j, b):
        pltpu.sync_copy(gbufs[b], acc.at[i2d.at[j]], add=True)

    with jax.named_scope("edge_loop"):
        for ph in range(PH):
            pltpu.sync_copy(ei_hbm.at[0].at[w].at[pl.ds(ph * PCH, PCH)], i2s)
            pltpu.sync_copy(ei_hbm.at[1].at[w].at[pl.ds(ph * PCH, PCH)], i2d)
            gather(0, 0)
            gather(1, 1)

            def body(g, carry):
                j = g * 2
                for b in (0, 1):
                    gwait(b)
                    scatter(j + b, b)
                    gather(j + b + 2, b)
                return carry

            lax.fori_loop(0, (PCH - 2) // 2, body, 0)
            for b in (0, 1):
                gwait(b)
                scatter(PCH - 2 + b, b)
    plsc.subcore_barrier()

    with jax.named_scope("copy_out"):
        r0 = s * RPT
        for z in ZCH:
            pltpu.sync_copy(acc.at[pl.ds(r0, z)],
                            out_hbm.at[c].at[pl.ds(r0, z)])
            r0 += z


def _sc_agg(y, ei4, zeros):
    mesh = plsc.VectorSubcoreMesh(core_axis_name="c", subcore_axis_name="s")
    k = pl.kernel(
        _sc_body,
        out_type=jax.ShapeDtypeStruct((NC, N_ACC, D), jnp.float32),
        mesh=mesh,
        scratch_types=[
            pltpu.VMEM((PCH, CHB), jnp.int32),
            pltpu.VMEM((PCH, CHB), jnp.int32),
            pltpu.VMEM((CHB, D), jnp.float32),
            pltpu.VMEM((CHB, D), jnp.float32),
            pltpu.VMEM_SHARED((N_ACC, D), jnp.float32),
            pltpu.SemaphoreType.DMA,
            pltpu.SemaphoreType.DMA,
        ],
    )
    return k(y, ei4, zeros)


def _fin_body(a_ref, b_ref, bias_ref, o_ref):
    o_ref[...] = a_ref[0] + b_ref[0] + bias_ref[...]


def _fin(parts, bias2):
    blk = 1000
    return pl.pallas_call(
        _fin_body,
        grid=(N // blk,),
        in_specs=[
            pl.BlockSpec((1, blk, D), lambda i: (0, i, 0)),
            pl.BlockSpec((1, blk, D), lambda i: (1, i, 0)),
            pl.BlockSpec((1, D), lambda i: (0, 0)),
        ],
        out_specs=pl.BlockSpec((blk, D), lambda i: (i, 0)),
        out_shape=jax.ShapeDtypeStruct((N, D), jnp.float32),
    )(parts, parts, bias2)


@jax.jit
def kernel(x, edge_index, p, W, b):
    y = _xpw(x, p, W)

    ei4 = edge_index.reshape(2, NW, NCH, CHB)
    zeros = jnp.zeros((ZCH[0], D), jnp.float32)

    parts = _sc_agg(y, ei4, zeros)
    return _fin(parts, b.reshape(1, D))

# --- scband reference (transcript-rebuilt; emitter-appended) ---
"""Pipeline reference for scband-mult-group-conv-75703093559753 (READ-ONLY COPY).

The authoritative reference and input builder live on the scoring server;
editing this copy changes nothing except your own understanding.
"""

import jax, jax.numpy as jnp
import numpy as np

N, E, D = 10000, 320000, 128

def setup_inputs(seed: int = 0) -> dict:
    key = jax.random.key(seed)
    k1, k2, k3, k4 = jax.random.split(key, 4)
    x = jax.random.normal(k1, (N, D), dtype=jnp.float32)
    edge_index = jax.random.randint(k2, (2, E), 0, N, dtype=jnp.int32)
    p = jax.random.uniform(k3, (N,), dtype=jnp.float32)
    W = jax.random.normal(k4, (D, D), dtype=jnp.float32) / np.sqrt(D)
    b = jnp.zeros((D,), dtype=jnp.float32)
    return {"x": x, "edge_index": edge_index, "p": p, "W": W, "b": b}

def reference(x, edge_index, p, W, b):
    # MultGroupConv with num_groups == 1:
    #   if p is not None: x *= p.view(-1, 1)
    #   return self.conv(x, adj_t)
    # conv modeled as unnormalized GCNConv (no self loops):
    #   out[dst] = sum_{(src,dst) in edges} x[src]; out = out @ W + b
    xs = x * p[:, None]
    src = edge_index[0]
    dst = edge_index[1]
    msgs = jnp.take(xs, src, axis=0)                # gather (SparseCore-friendly)
    agg = jax.ops.segment_sum(msgs, dst, num_segments=N)  # scatter-add
    out = agg @ W + b
    return out

if __name__ == "__main__":
    import jax
    _d = setup_inputs()
    print(jax.jit(kernel)(*tuple(_d.values())))

</pallas_src>

<mosaic_0001>
#map = affine_map<(d0, d1) -> (0, 0)>
#map1 = affine_map<(d0, d1) -> (0, 0, 0, 0)>
#map2 = affine_map<(d0, d1) -> (0, 0, 0)>
module attributes {stable_mosaic.version = 14 : i64} {
  func.func @_sc_body(%arg0: i32, %arg1: i32, %arg2: memref<10000x128xf32, #tpu.memory_space<hbm>>, %arg3: memref<2x32x80x125xi32, #tpu.memory_space<hbm>>, %arg4: memref<120x128xf32, #tpu.memory_space<hbm>>, %arg5: memref<2x10112x128xf32, #tpu.memory_space<hbm>>, %arg6: memref<40x125xi32, #tpu.memory_space<vmem>>, %arg7: memref<40x125xi32, #tpu.memory_space<vmem>>, %arg8: memref<125x128xf32, #tpu.memory_space<vmem>>, %arg9: memref<125x128xf32, #tpu.memory_space<vmem>>, %arg10: memref<10112x128xf32, #tpu.memory_space<vmem_shared>>, %arg11: memref<!tpu.dma_semaphore, #tpu.memory_space<semaphore_mem>>, %arg12: memref<!tpu.dma_semaphore, #tpu.memory_space<semaphore_mem>>) attributes {dimension_semantics = [#tpu.dimension_semantics<core_parallel>, #tpu.dimension_semantics<subcore_parallel>], iteration_bounds = array<i64: 2, 16>, scalar_prefetch = 0 : i64, scratch_operands = 7 : i64, tpu.core_type = #tpu.core_type<sc_vector_subcore>, window_params = [{transform_indices = #map}, {transform_indices = #map1}, {transform_indices = #map}, {transform_indices = #map2}]} {
    %mul3A = arith.constant 2 : i32
    %mul3A_0 = arith.muli %arg1, %mul3A : i32
    %add3A = arith.addi %mul3A_0, %arg0 : i32
    "tpu.trace_start"() <{level = 10 : i32, message = "zero_acc"}> : () -> ()
    "tpu.region"() ({
      %run_scoped3A_102 = tpu.sem_alloc : memref<!tpu.dma_semaphore, #tpu.memory_space<semaphore_mem>>
      %dma_start3A_103 = arith.constant 0 : i32
      %dma_start3A_104 = arith.constant 0 : i32
      %dma_start3A_105 = tpu.memref_slice %arg8[%dma_start3A_103, %dma_start3A_104] : memref<125x128xf32, #tpu.memory_space<vmem>> -> memref<120x128xf32, #tpu.memory_space<vmem>>
      %dma_start3A_106 = arith.constant 0 : i32
      %dma_start3A_107 = arith.constant 0 : i32
      %dma_start3A_108 = tpu.memref_slice %arg8[%dma_start3A_106, %dma_start3A_107] : memref<125x128xf32, #tpu.memory_space<vmem>> -> memref<120x128xf32, #tpu.memory_space<vmem>>
      tpu.enqueue_dma source(%arg4 : memref<120x128xf32, #tpu.memory_space<hbm>>) target(%dma_start3A_108 : memref<120x128xf32, #tpu.memory_space<vmem>>) target_semaphore(%run_scoped3A_102 : memref<!tpu.dma_semaphore, #tpu.memory_space<semaphore_mem>>)
      %dma_wait3A_109 = arith.constant 0 : i32
      %dma_wait3A_110 = arith.constant 0 : i32
      %dma_wait3A_111 = tpu.memref_slice %arg8[%dma_wait3A_109, %dma_wait3A_110] : memref<125x128xf32, #tpu.memory_space<vmem>> -> memref<120x128xf32, #tpu.memory_space<vmem>>
      %dma_wait3A_112 = arith.constant 0 : i32
      %dma_wait3A_113 = arith.constant 0 : i32
      %dma_wait3A_114 = tpu.memref_slice %arg8[%dma_wait3A_112, %dma_wait3A_113] : memref<125x128xf32, #tpu.memory_space<vmem>> -> memref<120x128xf32, #tpu.memory_space<vmem>>
      tpu.wait_dma2 semaphore(%run_scoped3A_102 : memref<!tpu.dma_semaphore, #tpu.memory_space<semaphore_mem>>) src(%arg4 : memref<120x128xf32, #tpu.memory_space<hbm>>) dst(%dma_wait3A_114 : memref<120x128xf32, #tpu.memory_space<vmem>>)
      tpu.yield
    }) : () -> ()
    %mul3A_1 = arith.constant 632 : i32
    %mul3A_2 = arith.muli %arg1, %mul3A_1 : i32
    "tpu.region"() ({
      %run_scoped3A_102 = tpu.sem_alloc : memref<!tpu.dma_semaphore, #tpu.memory_space<semaphore_mem>>
      %dma_start3A_103 = arith.constant 0 : i32
      %dma_start3A_104 = arith.constant 0 : i32
      %dma_start3A_105 = tpu.memref_slice %arg8[%dma_start3A_103, %dma_start3A_104] : memref<125x128xf32, #tpu.memory_space<vmem>> -> memref<120x128xf32, #tpu.memory_space<vmem>>
      %dma_start3A_106 = arith.constant 0 : i32
      %dma_start3A_107 = tpu.memref_slice %arg10[%mul3A_2, %dma_start3A_106] : memref<10112x128xf32, #tpu.memory_space<vmem_shared>> -> memref<120x128xf32, #tpu.memory_space<vmem_shared>>
      %dma_start3A_108 = arith.constant 0 : i32
      %dma_start3A_109 = tpu.memref_slice %arg10[%mul3A_2, %dma_start3A_108] : memref<10112x128xf32, #tpu.memory_space<vmem_shared>> -> memref<120x128xf32, #tpu.memory_space<vmem_shared>>
      %dma_start3A_110 = arith.constant 0 : i32
      %dma_start3A_111 = arith.constant 0 : i32
      %dma_start3A_112 = tpu.memref_slice %arg8[%dma_start3A_110, %dma_start3A_111] : memref<125x128xf32, #tpu.memory_space<vmem>> -> memref<120x128xf32, #tpu.memory_space<vmem>>
      tpu.enqueue_dma source(%dma_start3A_112 : memref<120x128xf32, #tpu.memory_space<vmem>>) target(%dma_start3A_109 : memref<120x128xf32, #tpu.memory_space<vmem_shared>>) target_semaphore(%run_scoped3A_102 : memref<!tpu.dma_semaphore, #tpu.memory_space<semaphore_mem>>)
      %dma_wait3A_113 = arith.constant 0 : i32
      %dma_wait3A_114 = arith.constant 0 : i32
      %dma_wait3A_115 = tpu.memref_slice %arg8[%dma_wait3A_113, %dma_wait3A_114] : memref<125x128xf32, #tpu.memory_space<vmem>> -> memref<120x128xf32, #tpu.memory_space<vmem>>
      %dma_wait3A_116 = arith.constant 0 : i32
      %dma_wait3A_117 = tpu.memref_slice %arg10[%mul3A_2, %dma_wait3A_116] : memref<10112x128xf32, #tpu.memory_space<vmem_shared>> -> memref<120x128xf32, #tpu.memory_space<vmem_shared>>
      %dma_wait3A_118 = arith.constant 0 : i32
      %dma_wait3A_119 = tpu.memref_slice %arg10[%mul3A_2, %dma_wait3A_118] : memref<10112x128xf32, #tpu.memory_space<vmem_shared>> -> memref<120x128xf32, #tpu.memory_space<vmem_shared>>
      %dma_wait3A_120 = arith.constant 0 : i32
      %dma_wait3A_121 = arith.constant 0 : i32
      %dma_wait3A_122 = tpu.memref_slice %arg8[%dma_wait3A_120, %dma_wait3A_121] : memref<125x128xf32, #tpu.memory_space<vmem>> -> memref<120x128xf32, #tpu.memory_space<vmem>>
      tpu.wait_dma2 semaphore(%run_scoped3A_102 : memref<!tpu.dma_semaphore, #tpu.memory_space<semaphore_mem>>) src(%dma_wait3A_122 : memref<120x128xf32, #tpu.memory_space<vmem>>) dst(%dma_wait3A_119 : memref<120x128xf32, #tpu.memory_space<vmem_shared>>)
      tpu.yield
    }) : () -> ()
    %add3A_3 = arith.constant 120 : i32
    %add3A_4 = arith.addi %mul3A_2, %add3A_3 : i32
    "tpu.region"() ({
      %run_scoped3A_102 = tpu.sem_alloc : memref<!tpu.dma_semaphore, #tpu.memory_space<semaphore_mem>>
      %dma_start3A_103 = arith.constant 0 : i32
      %dma_start3A_104 = arith.constant 0 : i32
      %dma_start3A_105 = tpu.memref_slice %arg8[%dma_start3A_103, %dma_start3A_104] : memref<125x128xf32, #tpu.memory_space<vmem>> -> memref<120x128xf32, #tpu.memory_space<vmem>>
      %dma_start3A_106 = arith.constant 0 : i32
      %dma_start3A_107 = tpu.memref_slice %arg10[%add3A_4, %dma_start3A_106] : memref<10112x128xf32, #tpu.memory_space<vmem_shared>> -> memref<120x128xf32, #tpu.memory_space<vmem_shared>>
      %dma_start3A_108 = arith.constant 0 : i32
      %dma_start3A_109 = tpu.memref_slice %arg10[%add3A_4, %dma_start3A_108] : memref<10112x128xf32, #tpu.memory_space<vmem_shared>> -> memref<120x128xf32, #tpu.memory_space<vmem_shared>>
      %dma_start3A_110 = arith.constant 0 : i32
      %dma_start3A_111 = arith.constant 0 : i32
      %dma_start3A_112 = tpu.memref_slice %arg8[%dma_start3A_110, %dma_start3A_111] : memref<125x128xf32, #tpu.memory_space<vmem>> -> memref<120x128xf32, #tpu.memory_space<vmem>>
      tpu.enqueue_dma source(%dma_start3A_112 : memref<120x128xf32, #tpu.memory_space<vmem>>) target(%dma_start3A_109 : memref<120x128xf32, #tpu.memory_space<vmem_shared>>) target_semaphore(%run_scoped3A_102 : memref<!tpu.dma_semaphore, #tpu.memory_space<semaphore_mem>>)
      %dma_wait3A_113 = arith.constant 0 : i32
      %dma_wait3A_114 = arith.constant 0 : i32
      %dma_wait3A_115 = tpu.memref_slice %arg8[%dma_wait3A_113, %dma_wait3A_114] : memref<125x128xf32, #tpu.memory_space<vmem>> -> memref<120x128xf32, #tpu.memory_space<vmem>>
      %dma_wait3A_116 = arith.constant 0 : i32
      %dma_wait3A_117 = tpu.memref_slice %arg10[%add3A_4, %dma_wait3A_116] : memref<10112x128xf32, #tpu.memory_space<vmem_shared>> -> memref<120x128xf32, #tpu.memory_space<vmem_shared>>
      %dma_wait3A_118 = arith.constant 0 : i32
      %dma_wait3A_119 = tpu.memref_slice %arg10[%add3A_4, %dma_wait3A_118] : memref<10112x128xf32, #tpu.memory_space<vmem_shared>> -> memref<120x128xf32, #tpu.memory_space<vmem_shared>>
      %dma_wait3A_120 = arith.constant 0 : i32
      %dma_wait3A_121 = arith.constant 0 : i32
      %dma_wait3A_122 = tpu.memref_slice %arg8[%dma_wait3A_120, %dma_wait3A_121] : memref<125x128xf32, #tpu.memory_space<vmem>> -> memref<120x128xf32, #tpu.memory_space<vmem>>
      tpu.wait_dma2 semaphore(%run_scoped3A_102 : memref<!tpu.dma_semaphore, #tpu.memory_space<semaphore_mem>>) src(%dma_wait3A_122 : memref<120x128xf32, #tpu.memory_space<vmem>>) dst(%dma_wait3A_119 : memref<120x128xf32, #tpu.memory_space<vmem_shared>>)
      tpu.yield
    }) : () -> ()
    %add3A_5 = arith.constant 120 : i32
    %add3A_6 = arith.addi %add3A_4, %add3A_5 : i32
    "tpu.region"() ({
      %run_scoped3A_102 = tpu.sem_alloc : memref<!tpu.dma_semaphore, #tpu.memory_space<semaphore_mem>>
      %dma_start3A_103 = arith.constant 0 : i32
      %dma_start3A_104 = arith.constant 0 : i32
      %dma_start3A_105 = tpu.memref_slice %arg8[%dma_start3A_103, %dma_start3A_104] : memref<125x128xf32, #tpu.memory_space<vmem>> -> memref<120x128xf32, #tpu.memory_space<vmem>>
      %dma_start3A_106 = arith.constant 0 : i32
      %dma_start3A_107 = tpu.memref_slice %arg10[%add3A_6, %dma_start3A_106] : memref<10112x128xf32, #tpu.memory_space<vmem_shared>> -> memref<120x128xf32, #tpu.memory_space<vmem_shared>>
      %dma_start3A_108 = arith.constant 0 : i32
      %dma_start3A_109 = tpu.memref_slice %arg10[%add3A_6, %dma_start3A_108] : memref<10112x128xf32, #tpu.memory_space<vmem_shared>> -> memref<120x128xf32, #tpu.memory_space<vmem_shared>>
      %dma_start3A_110 = arith.constant 0 : i32
      %dma_start3A_111 = arith.constant 0 : i32
      %dma_start3A_112 = tpu.memref_slice %arg8[%dma_start3A_110, %dma_start3A_111] : memref<125x128xf32, #tpu.memory_space<vmem>> -> memref<120x128xf32, #tpu.memory_space<vmem>>
      tpu.enqueue_dma source(%dma_start3A_112 : memref<120x128xf32, #tpu.memory_space<vmem>>) target(%dma_start3A_109 : memref<120x128xf32, #tpu.memory_space<vmem_shared>>) target_semaphore(%run_scoped3A_102 : memref<!tpu.dma_semaphore, #tpu.memory_space<semaphore_mem>>)
      %dma_wait3A_113 = arith.constant 0 : i32
      %dma_wait3A_114 = arith.constant 0 : i32
      %dma_wait3A_115 = tpu.memref_slice %arg8[%dma_wait3A_113, %dma_wait3A_114] : memref<125x128xf32, #tpu.memory_space<vmem>> -> memref<120x128xf32, #tpu.memory_space<vmem>>
      %dma_wait3A_116 = arith.constant 0 : i32
      %dma_wait3A_117 = tpu.memref_slice %arg10[%add3A_6, %dma_wait3A_116] : memref<10112x128xf32, #tpu.memory_space<vmem_shared>> -> memref<120x128xf32, #tpu.memory_space<vmem_shared>>
      %dma_wait3A_118 = arith.constant 0 : i32
      %dma_wait3A_119 = tpu.memref_slice %arg10[%add3A_6, %dma_wait3A_118] : memref<10112x128xf32, #tpu.memory_space<vmem_shared>> -> memref<120x128xf32, #tpu.memory_space<vmem_shared>>
      %dma_wait3A_120 = arith.constant 0 : i32
      %dma_wait3A_121 = arith.constant 0 : i32
      %dma_wait3A_122 = tpu.memref_slice %arg8[%dma_wait3A_120, %dma_wait3A_121] : memref<125x128xf32, #tpu.memory_space<vmem>> -> memref<120x128xf32, #tpu.memory_space<vmem>>
      tpu.wait_dma2 semaphore(%run_scoped3A_102 : memref<!tpu.dma_semaphore, #tpu.memory_space<semaphore_mem>>) src(%dma_wait3A_122 : memref<120x128xf32, #tpu.memory_space<vmem>>) dst(%dma_wait3A_119 : memref<120x128xf32, #tpu.memory_space<vmem_shared>>)
      tpu.yield
    }) : () -> ()
    %add3A_7 = arith.constant 120 : i32
    %add3A_8 = arith.addi %add3A_6, %add3A_7 : i32
    "tpu.region"() ({
      %run_scoped3A_102 = tpu.sem_alloc : memref<!tpu.dma_semaphore, #tpu.memory_space<semaphore_mem>>
      %dma_start3A_103 = arith.constant 0 : i32
      %dma_start3A_104 = arith.constant 0 : i32
      %dma_start3A_105 = tpu.memref_slice %arg8[%dma_start3A_103, %dma_start3A_104] : memref<125x128xf32, #tpu.memory_space<vmem>> -> memref<120x128xf32, #tpu.memory_space<vmem>>
      %dma_start3A_106 = arith.constant 0 : i32
      %dma_start3A_107 = tpu.memref_slice %arg10[%add3A_8, %dma_start3A_106] : memref<10112x128xf32, #tpu.memory_space<vmem_shared>> -> memref<120x128xf32, #tpu.memory_space<vmem_shared>>
      %dma_start3A_108 = arith.constant 0 : i32
      %dma_start3A_109 = tpu.memref_slice %arg10[%add3A_8, %dma_start3A_108] : memref<10112x128xf32, #tpu.memory_space<vmem_shared>> -> memref<120x128xf32, #tpu.memory_space<vmem_shared>>
      %dma_start3A_110 = arith.constant 0 : i32
      %dma_start3A_111 = arith.constant 0 : i32
      %dma_start3A_112 = tpu.memref_slice %arg8[%dma_start3A_110, %dma_start3A_111] : memref<125x128xf32, #tpu.memory_space<vmem>> -> memref<120x128xf32, #tpu.memory_space<vmem>>
      tpu.enqueue_dma source(%dma_start3A_112 : memref<120x128xf32, #tpu.memory_space<vmem>>) target(%dma_start3A_109 : memref<120x128xf32, #tpu.memory_space<vmem_shared>>) target_semaphore(%run_scoped3A_102 : memref<!tpu.dma_semaphore, #tpu.memory_space<semaphore_mem>>)
      %dma_wait3A_113 = arith.constant 0 : i32
      %dma_wait3A_114 = arith.constant 0 : i32
      %dma_wait3A_115 = tpu.memref_slice %arg8[%dma_wait3A_113, %dma_wait3A_114] : memref<125x128xf32, #tpu.memory_space<vmem>> -> memref<120x128xf32, #tpu.memory_space<vmem>>
      %dma_wait3A_116 = arith.constant 0 : i32
      %dma_wait3A_117 = tpu.memref_slice %arg10[%add3A_8, %dma_wait3A_116] : memref<10112x128xf32, #tpu.memory_space<vmem_shared>> -> memref<120x128xf32, #tpu.memory_space<vmem_shared>>
      %dma_wait3A_118 = arith.constant 0 : i32
      %dma_wait3A_119 = tpu.memref_slice %arg10[%add3A_8, %dma_wait3A_118] : memref<10112x128xf32, #tpu.memory_space<vmem_shared>> -> memref<120x128xf32, #tpu.memory_space<vmem_shared>>
      %dma_wait3A_120 = arith.constant 0 : i32
      %dma_wait3A_121 = arith.constant 0 : i32
      %dma_wait3A_122 = tpu.memref_slice %arg8[%dma_wait3A_120, %dma_wait3A_121] : memref<125x128xf32, #tpu.memory_space<vmem>> -> memref<120x128xf32, #tpu.memory_space<vmem>>
      tpu.wait_dma2 semaphore(%run_scoped3A_102 : memref<!tpu.dma_semaphore, #tpu.memory_space<semaphore_mem>>) src(%dma_wait3A_122 : memref<120x128xf32, #tpu.memory_space<vmem>>) dst(%dma_wait3A_119 : memref<120x128xf32, #tpu.memory_space<vmem_shared>>)
      tpu.yield
    }) : () -> ()
    %add3A_9 = arith.constant 120 : i32
    %add3A_10 = arith.addi %add3A_8, %add3A_9 : i32
    "tpu.region"() ({
      %run_scoped3A_102 = tpu.sem_alloc : memref<!tpu.dma_semaphore, #tpu.memory_space<semaphore_mem>>
      %dma_start3A_103 = arith.constant 0 : i32
      %dma_start3A_104 = arith.constant 0 : i32
      %dma_start3A_105 = tpu.memref_slice %arg8[%dma_start3A_103, %dma_start3A_104] : memref<125x128xf32, #tpu.memory_space<vmem>> -> memref<120x128xf32, #tpu.memory_space<vmem>>
      %dma_start3A_106 = arith.constant 0 : i32
      %dma_start3A_107 = tpu.memref_slice %arg10[%add3A_10, %dma_start3A_106] : memref<10112x128xf32, #tpu.memory_space<vmem_shared>> -> memref<120x128xf32, #tpu.memory_space<vmem_shared>>
      %dma_start3A_108 = arith.constant 0 : i32
      %dma_start3A_109 = tpu.memref_slice %arg10[%add3A_10, %dma_start3A_108] : memref<10112x128xf32, #tpu.memory_space<vmem_shared>> -> memref<120x128xf32, #tpu.memory_space<vmem_shared>>
      %dma_start3A_110 = arith.constant 0 : i32
      %dma_start3A_111 = arith.constant 0 : i32
      %dma_start3A_112 = tpu.memref_slice %arg8[%dma_start3A_110, %dma_start3A_111] : memref<125x128xf32, #tpu.memory_space<vmem>> -> memref<120x128xf32, #tpu.memory_space<vmem>>
      tpu.enqueue_dma source(%dma_start3A_112 : memref<120x128xf32, #tpu.memory_space<vmem>>) target(%dma_start3A_109 : memref<120x128xf32, #tpu.memory_space<vmem_shared>>) target_semaphore(%run_scoped3A_102 : memref<!tpu.dma_semaphore, #tpu.memory_space<semaphore_mem>>)
      %dma_wait3A_113 = arith.constant 0 : i32
      %dma_wait3A_114 = arith.constant 0 : i32
      %dma_wait3A_115 = tpu.memref_slice %arg8[%dma_wait3A_113, %dma_wait3A_114] : memref<125x128xf32, #tpu.memory_space<vmem>> -> memref<120x128xf32, #tpu.memory_space<vmem>>
      %dma_wait3A_116 = arith.constant 0 : i32
      %dma_wait3A_117 = tpu.memref_slice %arg10[%add3A_10, %dma_wait3A_116] : memref<10112x128xf32, #tpu.memory_space<vmem_shared>> -> memref<120x128xf32, #tpu.memory_space<vmem_shared>>
      %dma_wait3A_118 = arith.constant 0 : i32
      %dma_wait3A_119 = tpu.memref_slice %arg10[%add3A_10, %dma_wait3A_118] : memref<10112x128xf32, #tpu.memory_space<vmem_shared>> -> memref<120x128xf32, #tpu.memory_space<vmem_shared>>
      %dma_wait3A_120 = arith.constant 0 : i32
      %dma_wait3A_121 = arith.constant 0 : i32
      %dma_wait3A_122 = tpu.memref_slice %arg8[%dma_wait3A_120, %dma_wait3A_121] : memref<125x128xf32, #tpu.memory_space<vmem>> -> memref<120x128xf32, #tpu.memory_space<vmem>>
      tpu.wait_dma2 semaphore(%run_scoped3A_102 : memref<!tpu.dma_semaphore, #tpu.memory_space<semaphore_mem>>) src(%dma_wait3A_122 : memref<120x128xf32, #tpu.memory_space<vmem>>) dst(%dma_wait3A_119 : memref<120x128xf32, #tpu.memory_space<vmem_shared>>)
      tpu.yield
    }) : () -> ()
    %add3A_11 = arith.constant 120 : i32
    %add3A_12 = arith.addi %add3A_10, %add3A_11 : i32
    "tpu.region"() ({
      %run_scoped3A_102 = tpu.sem_alloc : memref<!tpu.dma_semaphore, #tpu.memory_space<semaphore_mem>>
      %dma_start3A_103 = arith.constant 0 : i32
      %dma_start3A_104 = arith.constant 0 : i32
      %dma_start3A_105 = tpu.memref_slice %arg8[%dma_start3A_103, %dma_start3A_104] : memref<125x128xf32, #tpu.memory_space<vmem>> -> memref<32x128xf32, #tpu.memory_space<vmem>>
      %dma_start3A_106 = arith.constant 0 : i32
      %dma_start3A_107 = tpu.memref_slice %arg10[%add3A_12, %dma_start3A_106] : memref<10112x128xf32, #tpu.memory_space<vmem_shared>> -> memref<32x128xf32, #tpu.memory_space<vmem_shared>>
      %dma_start3A_108 = arith.constant 0 : i32
      %dma_start3A_109 = tpu.memref_slice %arg10[%add3A_12, %dma_start3A_108] : memref<10112x128xf32, #tpu.memory_space<vmem_shared>> -> memref<32x128xf32, #tpu.memory_space<vmem_shared>>
      %dma_start3A_110 = arith.constant 0 : i32
      %dma_start3A_111 = arith.constant 0 : i32
      %dma_start3A_112 = tpu.memref_slice %arg8[%dma_start3A_110, %dma_start3A_111] : memref<125x128xf32, #tpu.memory_space<vmem>> -> memref<32x128xf32, #tpu.memory_space<vmem>>
      tpu.enqueue_dma source(%dma_start3A_112 : memref<32x128xf32, #tpu.memory_space<vmem>>) target(%dma_start3A_109 : memref<32x128xf32, #tpu.memory_space<vmem_shared>>) target_semaphore(%run_scoped3A_102 : memref<!tpu.dma_semaphore, #tpu.memory_space<semaphore_mem>>)
      %dma_wait3A_113 = arith.constant 0 : i32
      %dma_wait3A_114 = arith.constant 0 : i32
      %dma_wait3A_115 = tpu.memref_slice %arg8[%dma_wait3A_113, %dma_wait3A_114] : memref<125x128xf32, #tpu.memory_space<vmem>> -> memref<32x128xf32, #tpu.memory_space<vmem>>
      %dma_wait3A_116 = arith.constant 0 : i32
      %dma_wait3A_117 = tpu.memref_slice %arg10[%add3A_12, %dma_wait3A_116] : memref<10112x128xf32, #tpu.memory_space<vmem_shared>> -> memref<32x128xf32, #tpu.memory_space<vmem_shared>>
      %dma_wait3A_118 = arith.constant 0 : i32
      %dma_wait3A_119 = tpu.memref_slice %arg10[%add3A_12, %dma_wait3A_118] : memref<10112x128xf32, #tpu.memory_space<vmem_shared>> -> memref<32x128xf32, #tpu.memory_space<vmem_shared>>
      %dma_wait3A_120 = arith.constant 0 : i32
      %dma_wait3A_121 = arith.constant 0 : i32
      %dma_wait3A_122 = tpu.memref_slice %arg8[%dma_wait3A_120, %dma_wait3A_121] : memref<125x128xf32, #tpu.memory_space<vmem>> -> memref<32x128xf32, #tpu.memory_space<vmem>>
      tpu.wait_dma2 semaphore(%run_scoped3A_102 : memref<!tpu.dma_semaphore, #tpu.memory_space<semaphore_mem>>) src(%dma_wait3A_122 : memref<32x128xf32, #tpu.memory_space<vmem>>) dst(%dma_wait3A_119 : memref<32x128xf32, #tpu.memory_space<vmem_shared>>)
      tpu.yield
    }) : () -> ()
    %add3A_13 = arith.constant 32 : i32
    %add3A_14 = arith.addi %add3A_12, %add3A_13 : i32
    "tpu.trace_stop"() : () -> ()
    %barrier3A = arith.constant 0 : index
    tpu.barrier barrier_id(%barrier3A)
    %run_scoped3A = arith.constant 0 : i32
    "tpu.trace_start"() <{level = 10 : i32, message = "edge_loop"}> : () -> ()
    "tpu.region"() ({
      %run_scoped3A_102 = tpu.sem_alloc : memref<!tpu.dma_semaphore, #tpu.memory_space<semaphore_mem>>
      %dma_start3A_103 = arith.constant 0 : i32
      %dma_start3A_104 = arith.constant 0 : i32
      %dma_start3A_105 = arith.constant 0 : i32
      %dma_start3A_106 = tpu.memref_slice %arg3[%run_scoped3A, %dma_start3A_103, %dma_start3A_104, %dma_start3A_105] : memref<2x32x80x125xi32, #tpu.memory_space<hbm>> -> memref<1x32x80x125xi32, #tpu.memory_space<hbm>>
      %dma_start3A_107 = tpu.memref_squeeze %dma_start3A_106 : memref<1x32x80x125xi32, #tpu.memory_space<hbm>> -> memref<32x80x125xi32, #tpu.memory_space<hbm>>
      %dma_start3A_108 = arith.constant 0 : i32
      %dma_start3A_109 = arith.constant 0 : i32
      %dma_start3A_110 = tpu.memref_slice %dma_start3A_107[%add3A, %dma_start3A_108, %dma_start3A_109] : memref<32x80x125xi32, #tpu.memory_space<hbm>> -> memref<1x80x125xi32, #tpu.memory_space<hbm>>
      %dma_start3A_111 = tpu.memref_squeeze %dma_start3A_110 : memref<1x80x125xi32, #tpu.memory_space<hbm>> -> memref<80x125xi32, #tpu.memory_space<hbm>>
      %dma_start3A_112 = arith.constant 0 : i32
      %dma_start3A_113 = arith.constant 0 : i32
      %dma_start3A_114 = tpu.memref_slice %dma_start3A_111[%dma_start3A_112, %dma_start3A_113] : memref<80x125xi32, #tpu.memory_space<hbm>> -> memref<40x125xi32, #tpu.memory_space<hbm>>
      %dma_start3A_115 = arith.constant 0 : i32
      %dma_start3A_116 = arith.constant 0 : i32
      %dma_start3A_117 = arith.constant 0 : i32
      %dma_start3A_118 = tpu.memref_slice %arg3[%run_scoped3A, %dma_start3A_115, %dma_start3A_116, %dma_start3A_117] : memref<2x32x80x125xi32, #tpu.memory_space<hbm>> -> memref<1x32x80x125xi32, #tpu.memory_space<hbm>>
      %dma_start3A_119 = tpu.memref_squeeze %dma_start3A_118 : memref<1x32x80x125xi32, #tpu.memory_space<hbm>> -> memref<32x80x125xi32, #tpu.memory_space<hbm>>
      %dma_start3A_120 = arith.constant 0 : i32
      %dma_start3A_121 = arith.constant 0 : i32
      %dma_start3A_122 = tpu.memref_slice %dma_start3A_119[%add3A, %dma_start3A_120, %dma_start3A_121] : memref<32x80x125xi32, #tpu.memory_space<hbm>> -> memref<1x80x125xi32, #tpu.memory_space<hbm>>
      %dma_start3A_123 = tpu.memref_squeeze %dma_start3A_122 : memref<1x80x125xi32, #tpu.memory_space<hbm>> -> memref<80x125xi32, #tpu.memory_space<hbm>>
      %dma_start3A_124 = arith.constant 0 : i32
      %dma_start3A_125 = arith.constant 0 : i32
      %dma_start3A_126 = tpu.memref_slice %dma_start3A_123[%dma_start3A_124, %dma_start3A_125] : memref<80x125xi32, #tpu.memory_space<hbm>> -> memref<40x125xi32, #tpu.memory_space<hbm>>
      tpu.enqueue_dma source(%dma_start3A_126 : memref<40x125xi32, #tpu.memory_space<hbm>>) target(%arg6 : memref<40x125xi32, #tpu.memory_space<vmem>>) target_semaphore(%run_scoped3A_102 : memref<!tpu.dma_semaphore, #tpu.memory_space<semaphore_mem>>)
      %dma_wait3A_127 = arith.constant 0 : i32
      %dma_wait3A_128 = arith.constant 0 : i32
      %dma_wait3A_129 = arith.constant 0 : i32
      %dma_wait3A_130 = tpu.memref_slice %arg3[%run_scoped3A, %dma_wait3A_127, %dma_wait3A_128, %dma_wait3A_129] : memref<2x32x80x125xi32, #tpu.memory_space<hbm>> -> memref<1x32x80x125xi32, #tpu.memory_space<hbm>>
      %dma_wait3A_131 = tpu.memref_squeeze %dma_wait3A_130 : memref<1x32x80x125xi32, #tpu.memory_space<hbm>> -> memref<32x80x125xi32, #tpu.memory_space<hbm>>
      %dma_wait3A_132 = arith.constant 0 : i32
      %dma_wait3A_133 = arith.constant 0 : i32
      %dma_wait3A_134 = tpu.memref_slice %dma_wait3A_131[%add3A, %dma_wait3A_132, %dma_wait3A_133] : memref<32x80x125xi32, #tpu.memory_space<hbm>> -> memref<1x80x125xi32, #tpu.memory_space<hbm>>
      %dma_wait3A_135 = tpu.memref_squeeze %dma_wait3A_134 : memref<1x80x125xi32, #tpu.memory_space<hbm>> -> memref<80x125xi32, #tpu.memory_space<hbm>>
      %dma_wait3A_136 = arith.constant 0 : i32
      %dma_wait3A_137 = arith.constant 0 : i32
      %dma_wait3A_138 = tpu.memref_slice %dma_wait3A_135[%dma_wait3A_136, %dma_wait3A_137] : memref<80x125xi32, #tpu.memory_space<hbm>> -> memref<40x125xi32, #tpu.memory_space<hbm>>
      %dma_wait3A_139 = arith.constant 0 : i32
      %dma_wait3A_140 = arith.constant 0 : i32
      %dma_wait3A_141 = arith.constant 0 : i32
      %dma_wait3A_142 = tpu.memref_slice %arg3[%run_scoped3A, %dma_wait3A_139, %dma_wait3A_140, %dma_wait3A_141] : memref<2x32x80x125xi32, #tpu.memory_space<hbm>> -> memref<1x32x80x125xi32, #tpu.memory_space<hbm>>
      %dma_wait3A_143 = tpu.memref_squeeze %dma_wait3A_142 : memref<1x32x80x125xi32, #tpu.memory_space<hbm>> -> memref<32x80x125xi32, #tpu.memory_space<hbm>>
      %dma_wait3A_144 = arith.constant 0 : i32
      %dma_wait3A_145 = arith.constant 0 : i32
      %dma_wait3A_146 = tpu.memref_slice %dma_wait3A_143[%add3A, %dma_wait3A_144, %dma_wait3A_145] : memref<32x80x125xi32, #tpu.memory_space<hbm>> -> memref<1x80x125xi32, #tpu.memory_space<hbm>>
      %dma_wait3A_147 = tpu.memref_squeeze %dma_wait3A_146 : memref<1x80x125xi32, #tpu.memory_space<hbm>> -> memref<80x125xi32, #tpu.memory_space<hbm>>
      %dma_wait3A_148 = arith.constant 0 : i32
      %dma_wait3A_149 = arith.constant 0 : i32
      %dma_wait3A_150 = tpu.memref_slice %dma_wait3A_147[%dma_wait3A_148, %dma_wait3A_149] : memref<80x125xi32, #tpu.memory_space<hbm>> -> memref<40x125xi32, #tpu.memory_space<hbm>>
      tpu.wait_dma2 semaphore(%run_scoped3A_102 : memref<!tpu.dma_semaphore, #tpu.memory_space<semaphore_mem>>) src(%dma_wait3A_150 : memref<40x125xi32, #tpu.memory_space<hbm>>) dst(%arg6 : memref<40x125xi32, #tpu.memory_space<vmem>>)
      tpu.yield
    }) : () -> ()
    %run_scoped3A_15 = arith.constant 1 : i32
    "tpu.region"() ({
      %run_scoped3A_102 = tpu.sem_alloc : memref<!tpu.dma_semaphore, #tpu.memory_space<semaphore_mem>>
      %dma_start3A_103 = arith.constant 0 : i32
      %dma_start3A_104 = arith.constant 0 : i32
      %dma_start3A_105 = arith.constant 0 : i32
      %dma_start3A_106 = tpu.memref_slice %arg3[%run_scoped3A_15, %dma_start3A_103, %dma_start3A_104, %dma_start3A_105] : memref<2x32x80x125xi32, #tpu.memory_space<hbm>> -> memref<1x32x80x125xi32, #tpu.memory_space<hbm>>
      %dma_start3A_107 = tpu.memref_squeeze %dma_start3A_106 : memref<1x32x80x125xi32, #tpu.memory_space<hbm>> -> memref<32x80x125xi32, #tpu.memory_space<hbm>>
      %dma_start3A_108 = arith.constant 0 : i32
      %dma_start3A_109 = arith.constant 0 : i32
      %dma_start3A_110 = tpu.memref_slice %dma_start3A_107[%add3A, %dma_start3A_108, %dma_start3A_109] : memref<32x80x125xi32, #tpu.memory_space<hbm>> -> memref<1x80x125xi32, #tpu.memory_space<hbm>>
      %dma_start3A_111 = tpu.memref_squeeze %dma_start3A_110 : memref<1x80x125xi32, #tpu.memory_space<hbm>> -> memref<80x125xi32, #tpu.memory_space<hbm>>
      %dma_start3A_112 = arith.constant 0 : i32
      %dma_start3A_113 = arith.constant 0 : i32
      %dma_start3A_114 = tpu.memref_slice %dma_start3A_111[%dma_start3A_112, %dma_start3A_113] : memref<80x125xi32, #tpu.memory_space<hbm>> -> memref<40x125xi32, #tpu.memory_space<hbm>>
      %dma_start3A_115 = arith.constant 0 : i32
      %dma_start3A_116 = arith.constant 0 : i32
      %dma_start3A_117 = arith.constant 0 : i32
      %dma_start3A_118 = tpu.memref_slice %arg3[%run_scoped3A_15, %dma_start3A_115, %dma_start3A_116, %dma_start3A_117] : memref<2x32x80x125xi32, #tpu.memory_space<hbm>> -> memref<1x32x80x125xi32, #tpu.memory_space<hbm>>
      %dma_start3A_119 = tpu.memref_squeeze %dma_start3A_118 : memref<1x32x80x125xi32, #tpu.memory_space<hbm>> -> memref<32x80x125xi32, #tpu.memory_space<hbm>>
      %dma_start3A_120 = arith.constant 0 : i32
      %dma_start3A_121 = arith.constant 0 : i32
      %dma_start3A_122 = tpu.memref_slice %dma_start3A_119[%add3A, %dma_start3A_120, %dma_start3A_121] : memref<32x80x125xi32, #tpu.memory_space<hbm>> -> memref<1x80x125xi32, #tpu.memory_space<hbm>>
      %dma_start3A_123 = tpu.memref_squeeze %dma_start3A_122 : memref<1x80x125xi32, #tpu.memory_space<hbm>> -> memref<80x125xi32, #tpu.memory_space<hbm>>
      %dma_start3A_124 = arith.constant 0 : i32
      %dma_start3A_125 = arith.constant 0 : i32
      %dma_start3A_126 = tpu.memref_slice %dma_start3A_123[%dma_start3A_124, %dma_start3A_125] : memref<80x125xi32, #tpu.memory_space<hbm>> -> memref<40x125xi32, #tpu.memory_space<hbm>>
      tpu.enqueue_dma source(%dma_start3A_126 : memref<40x125xi32, #tpu.memory_space<hbm>>) target(%arg7 : memref<40x125xi32, #tpu.memory_space<vmem>>) target_semaphore(%run_scoped3A_102 : memref<!tpu.dma_semaphore, #tpu.memory_space<semaphore_mem>>)
      %dma_wait3A_127 = arith.constant 0 : i32
      %dma_wait3A_128 = arith.constant 0 : i32
      %dma_wait3A_129 = arith.constant 0 : i32
      %dma_wait3A_130 = tpu.memref_slice %arg3[%run_scoped3A_15, %dma_wait3A_127, %dma_wait3A_128, %dma_wait3A_129] : memref<2x32x80x125xi32, #tpu.memory_space<hbm>> -> memref<1x32x80x125xi32, #tpu.memory_space<hbm>>
      %dma_wait3A_131 = tpu.memref_squeeze %dma_wait3A_130 : memref<1x32x80x125xi32, #tpu.memory_space<hbm>> -> memref<32x80x125xi32, #tpu.memory_space<hbm>>
      %dma_wait3A_132 = arith.constant 0 : i32
      %dma_wait3A_133 = arith.constant 0 : i32
      %dma_wait3A_134 = tpu.memref_slice %dma_wait3A_131[%add3A, %dma_wait3A_132, %dma_wait3A_133] : memref<32x80x125xi32, #tpu.memory_space<hbm>> -> memref<1x80x125xi32, #tpu.memory_space<hbm>>
      %dma_wait3A_135 = tpu.memref_squeeze %dma_wait3A_134 : memref<1x80x125xi32, #tpu.memory_space<hbm>> -> memref<80x125xi32, #tpu.memory_space<hbm>>
      %dma_wait3A_136 = arith.constant 0 : i32
      %dma_wait3A_137 = arith.constant 0 : i32
      %dma_wait3A_138 = tpu.memref_slice %dma_wait3A_135[%dma_wait3A_136, %dma_wait3A_137] : memref<80x125xi32, #tpu.memory_space<hbm>> -> memref<40x125xi32, #tpu.memory_space<hbm>>
      %dma_wait3A_139 = arith.constant 0 : i32
      %dma_wait3A_140 = arith.constant 0 : i32
      %dma_wait3A_141 = arith.constant 0 : i32
      %dma_wait3A_142 = tpu.memref_slice %arg3[%run_scoped3A_15, %dma_wait3A_139, %dma_wait3A_140, %dma_wait3A_141] : memref<2x32x80x125xi32, #tpu.memory_space<hbm>> -> memref<1x32x80x125xi32, #tpu.memory_space<hbm>>
      %dma_wait3A_143 = tpu.memref_squeeze %dma_wait3A_142 : memref<1x32x80x125xi32, #tpu.memory_space<hbm>> -> memref<32x80x125xi32, #tpu.memory_space<hbm>>
      %dma_wait3A_144 = arith.constant 0 : i32
      %dma_wait3A_145 = arith.constant 0 : i32
      %dma_wait3A_146 = tpu.memref_slice %dma_wait3A_143[%add3A, %dma_wait3A_144, %dma_wait3A_145] : memref<32x80x125xi32, #tpu.memory_space<hbm>> -> memref<1x80x125xi32, #tpu.memory_space<hbm>>
      %dma_wait3A_147 = tpu.memref_squeeze %dma_wait3A_146 : memref<1x80x125xi32, #tpu.memory_space<hbm>> -> memref<80x125xi32, #tpu.memory_space<hbm>>
      %dma_wait3A_148 = arith.constant 0 : i32
      %dma_wait3A_149 = arith.constant 0 : i32
      %dma_wait3A_150 = tpu.memref_slice %dma_wait3A_147[%dma_wait3A_148, %dma_wait3A_149] : memref<80x125xi32, #tpu.memory_space<hbm>> -> memref<40x125xi32, #tpu.memory_space<hbm>>
      tpu.wait_dma2 semaphore(%run_scoped3A_102 : memref<!tpu.dma_semaphore, #tpu.memory_space<semaphore_mem>>) src(%dma_wait3A_150 : memref<40x125xi32, #tpu.memory_space<hbm>>) dst(%arg7 : memref<40x125xi32, #tpu.memory_space<vmem>>)
      tpu.yield
    }) : () -> ()
    %dma_start3A = arith.constant 0 : i32
    %dma_start3A_16 = arith.constant 0 : i32
    %dma_start3A_17 = tpu.memref_slice %arg6[%dma_start3A, %dma_start3A_16] : memref<40x125xi32, #tpu.memory_space<vmem>> -> memref<1x125xi32, #tpu.memory_space<vmem>>
    %dma_start3A_18 = tpu.memref_squeeze %dma_start3A_17 : memref<1x125xi32, #tpu.memory_space<vmem>> -> memref<125xi32, #tpu.memory_space<vmem>>
    %dma_start3A_19 = arith.constant 0 : i32
    %dma_start3A_20 = arith.constant 0 : i32
    %dma_start3A_21 = tpu.memref_slice %arg2[%dma_start3A_19, %dma_start3A_20] : memref<10000x128xf32, #tpu.memory_space<hbm>> -> memref<10000x128xf32, #tpu.memory_space<hbm>>
    tpu.enqueue_indirect_dma source(%dma_start3A_21 : memref<10000x128xf32, #tpu.memory_space<hbm>>) target(%arg8 : memref<125x128xf32, #tpu.memory_space<vmem>>) offsets(%dma_start3A_18 : memref<125xi32, #tpu.memory_space<vmem>>) semaphore(%arg11 : memref<!tpu.dma_semaphore, #tpu.memory_space<semaphore_mem>>)
    %dma_start3A_22 = arith.constant 1 : i32
    %dma_start3A_23 = arith.constant 0 : i32
    %dma_start3A_24 = tpu.memref_slice %arg6[%dma_start3A_22, %dma_start3A_23] : memref<40x125xi32, #tpu.memory_space<vmem>> -> memref<1x125xi32, #tpu.memory_space<vmem>>
    %dma_start3A_25 = tpu.memref_squeeze %dma_start3A_24 : memref<1x125xi32, #tpu.memory_space<vmem>> -> memref<125xi32, #tpu.memory_space<vmem>>
    %dma_start3A_26 = arith.constant 0 : i32
    %dma_start3A_27 = arith.constant 0 : i32
    %dma_start3A_28 = tpu.memref_slice %arg2[%dma_start3A_26, %dma_start3A_27] : memref<10000x128xf32, #tpu.memory_space<hbm>> -> memref<10000x128xf32, #tpu.memory_space<hbm>>
    tpu.enqueue_indirect_dma source(%dma_start3A_28 : memref<10000x128xf32, #tpu.memory_space<hbm>>) target(%arg9 : memref<125x128xf32, #tpu.memory_space<vmem>>) offsets(%dma_start3A_25 : memref<125xi32, #tpu.memory_space<vmem>>) semaphore(%arg12 : memref<!tpu.dma_semaphore, #tpu.memory_space<semaphore_mem>>)
    %scan3A = arith.constant 0 : i32
    %scan3A_29 = arith.constant 0 : i32
    %scan3A_30 = arith.constant 19 : i32
    %scan3A_31 = arith.addi %scan3A_29, %scan3A_30 : i32
    %scan3A_32 = arith.constant 1 : i32
    scf.for %scan3A_102 = %scan3A_29 to %scan3A_31 step %scan3A_32  : i32 {
      %mul3A_103 = arith.constant 2 : i32
      %mul3A_104 = arith.muli %scan3A_102, %mul3A_103 : i32
      %dma_wait3A_105 = arith.constant 0 : i32
      %dma_wait3A_106 = arith.constant 0 : i32
      %dma_wait3A_107 = tpu.memref_slice %arg6[%dma_wait3A_105, %dma_wait3A_106] : memref<40x125xi32, #tpu.memory_space<vmem>> -> memref<1x125xi32, #tpu.memory_space<vmem>>
      %dma_wait3A_108 = tpu.memref_squeeze %dma_wait3A_107 : memref<1x125xi32, #tpu.memory_space<vmem>> -> memref<125xi32, #tpu.memory_space<vmem>>
      %dma_wait3A_109 = arith.constant 0 : i32
      %dma_wait3A_110 = arith.constant 0 : i32
      %dma_wait3A_111 = tpu.memref_slice %arg2[%dma_wait3A_109, %dma_wait3A_110] : memref<10000x128xf32, #tpu.memory_space<hbm>> -> memref<10000x128xf32, #tpu.memory_space<hbm>>
      tpu.wait_indirect_dma semaphore(%arg11 : memref<!tpu.dma_semaphore, #tpu.memory_space<semaphore_mem>>) src(%dma_wait3A_111 : memref<10000x128xf32, #tpu.memory_space<hbm>>) dst(%arg8 : memref<125x128xf32, #tpu.memory_space<vmem>>)
      %add3A_112 = arith.constant 0 : i32
      %add3A_113 = arith.addi %mul3A_104, %add3A_112 : i32
      "tpu.region"() ({
        %run_scoped3A_143 = tpu.sem_alloc : memref<!tpu.dma_semaphore, #tpu.memory_space<semaphore_mem>>
        %dma_start3A_144 = arith.constant 0 : i32
        %dma_start3A_145 = tpu.memref_slice %arg7[%add3A_113, %dma_start3A_144] : memref<40x125xi32, #tpu.memory_space<vmem>> -> memref<1x125xi32, #tpu.memory_space<vmem>>
        %dma_start3A_146 = tpu.memref_squeeze %dma_start3A_145 : memref<1x125xi32, #tpu.memory_space<vmem>> -> memref<125xi32, #tpu.memory_space<vmem>>
        %dma_start3A_147 = arith.constant 0 : i32
        %dma_start3A_148 = arith.constant 0 : i32
        %dma_start3A_149 = tpu.memref_slice %arg10[%dma_start3A_147, %dma_start3A_148] : memref<10112x128xf32, #tpu.memory_space<vmem_shared>> -> memref<10112x128xf32, #tpu.memory_space<vmem_shared>>
        tpu.enqueue_indirect_dma source(%arg8 : memref<125x128xf32, #tpu.memory_space<vmem>>) target(%dma_start3A_149 : memref<10112x128xf32, #tpu.memory_space<vmem_shared>>) offsets(%dma_start3A_146 : memref<125xi32, #tpu.memory_space<vmem>>) semaphore(%run_scoped3A_143 : memref<!tpu.dma_semaphore, #tpu.memory_space<semaphore_mem>>) {add = true}
        %dma_wait3A_150 = arith.constant 0 : i32
        %dma_wait3A_151 = tpu.memref_slice %arg7[%add3A_113, %dma_wait3A_150] : memref<40x125xi32, #tpu.memory_space<vmem>> -> memref<1x125xi32, #tpu.memory_space<vmem>>
        %dma_wait3A_152 = tpu.memref_squeeze %dma_wait3A_151 : memref<1x125xi32, #tpu.memory_space<vmem>> -> memref<125xi32, #tpu.memory_space<vmem>>
        %dma_wait3A_153 = arith.constant 0 : i32
        %dma_wait3A_154 = arith.constant 0 : i32
        %dma_wait3A_155 = tpu.memref_slice %arg10[%dma_wait3A_153, %dma_wait3A_154] : memref<10112x128xf32, #tpu.memory_space<vmem_shared>> -> memref<10112x128xf32, #tpu.memory_space<vmem_shared>>
        tpu.wait_indirect_dma semaphore(%run_scoped3A_143 : memref<!tpu.dma_semaphore, #tpu.memory_space<semaphore_mem>>) src(%arg8 : memref<125x128xf32, #tpu.memory_space<vmem>>) dst(%dma_wait3A_155 : memref<10112x128xf32, #tpu.memory_space<vmem_shared>>)
        tpu.yield
      }) : () -> ()
      %add3A_114 = arith.constant 0 : i32
      %add3A_115 = arith.addi %mul3A_104, %add3A_114 : i32
      %add3A_116 = arith.constant 2 : i32
      %add3A_117 = arith.addi %add3A_115, %add3A_116 : i32
      %dma_start3A_118 = arith.constant 0 : i32
      %dma_start3A_119 = tpu.memref_slice %arg6[%add3A_117, %dma_start3A_118] : memref<40x125xi32, #tpu.memory_space<vmem>> -> memref<1x125xi32, #tpu.memory_space<vmem>>
      %dma_start3A_120 = tpu.memref_squeeze %dma_start3A_119 : memref<1x125xi32, #tpu.memory_space<vmem>> -> memref<125xi32, #tpu.memory_space<vmem>>
      %dma_start3A_121 = arith.constant 0 : i32
      %dma_start3A_122 = arith.constant 0 : i32
      %dma_start3A_123 = tpu.memref_slice %arg2[%dma_start3A_121, %dma_start3A_122] : memref<10000x128xf32, #tpu.memory_space<hbm>> -> memref<10000x128xf32, #tpu.memory_space<hbm>>
      tpu.enqueue_indirect_dma source(%dma_start3A_123 : memref<10000x128xf32, #tpu.memory_space<hbm>>) target(%arg8 : memref<125x128xf32, #tpu.memory_space<vmem>>) offsets(%dma_start3A_120 : memref<125xi32, #tpu.memory_space<vmem>>) semaphore(%arg11 : memref<!tpu.dma_semaphore, #tpu.memory_space<semaphore_mem>>)
      %dma_wait3A_124 = arith.constant 0 : i32
      %dma_wait3A_125 = arith.constant 0 : i32
      %dma_wait3A_126 = tpu.memref_slice %arg6[%dma_wait3A_124, %dma_wait3A_125] : memref<40x125xi32, #tpu.memory_space<vmem>> -> memref<1x125xi32, #tpu.memory_space<vmem>>
      %dma_wait3A_127 = tpu.memref_squeeze %dma_wait3A_126 : memref<1x125xi32, #tpu.memory_space<vmem>> -> memref<125xi32, #tpu.memory_space<vmem>>
      %dma_wait3A_128 = arith.constant 0 : i32
      %dma_wait3A_129 = arith.constant 0 : i32
      %dma_wait3A_130 = tpu.memref_slice %arg2[%dma_wait3A_128, %dma_wait3A_129] : memref<10000x128xf32, #tpu.memory_space<hbm>> -> memref<10000x128xf32, #tpu.memory_space<hbm>>
      tpu.wait_indirect_dma semaphore(%arg12 : memref<!tpu.dma_semaphore, #tpu.memory_space<semaphore_mem>>) src(%dma_wait3A_130 : memref<10000x128xf32, #tpu.memory_space<hbm>>) dst(%arg9 : memref<125x128xf32, #tpu.memory_space<vmem>>)
      %add3A_131 = arith.constant 1 : i32
      %add3A_132 = arith.addi %mul3A_104, %add3A_131 : i32
      "tpu.region"() ({
        %run_scoped3A_143 = tpu.sem_alloc : memref<!tpu.dma_semaphore, #tpu.memory_space<semaphore_mem>>
        %dma_start3A_144 = arith.constant 0 : i32
        %dma_start3A_145 = tpu.memref_slice %arg7[%add3A_132, %dma_start3A_144] : memref<40x125xi32, #tpu.memory_space<vmem>> -> memref<1x125xi32, #tpu.memory_space<vmem>>
        %dma_start3A_146 = tpu.memref_squeeze %dma_start3A_145 : memref<1x125xi32, #tpu.memory_space<vmem>> -> memref<125xi32, #tpu.memory_space<vmem>>
        %dma_start3A_147 = arith.constant 0 : i32
        %dma_start3A_148 = arith.constant 0 : i32
        %dma_start3A_149 = tpu.memref_slice %arg10[%dma_start3A_147, %dma_start3A_148] : memref<10112x128xf32, #tpu.memory_space<vmem_shared>> -> memref<10112x128xf32, #tpu.memory_space<vmem_shared>>
        tpu.enqueue_indirect_dma source(%arg9 : memref<125x128xf32, #tpu.memory_space<vmem>>) target(%dma_start3A_149 : memref<10112x128xf32, #tpu.memory_space<vmem_shared>>) offsets(%dma_start3A_146 : memref<125xi32, #tpu.memory_space<vmem>>) semaphore(%run_scoped3A_143 : memref<!tpu.dma_semaphore, #tpu.memory_space<semaphore_mem>>) {add = true}
        %dma_wait3A_150 = arith.constant 0 : i32
        %dma_wait3A_151 = tpu.memref_slice %arg7[%add3A_132, %dma_wait3A_150] : memref<40x125xi32, #tpu.memory_space<vmem>> -> memref<1x125xi32, #tpu.memory_space<vmem>>
        %dma_wait3A_152 = tpu.memref_squeeze %dma_wait3A_151 : memref<1x125xi32, #tpu.memory_space<vmem>> -> memref<125xi32, #tpu.memory_space<vmem>>
        %dma_wait3A_153 = arith.constant 0 : i32
        %dma_wait3A_154 = arith.constant 0 : i32
        %dma_wait3A_155 = tpu.memref_slice %arg10[%dma_wait3A_153, %dma_wait3A_154] : memref<10112x128xf32, #tpu.memory_space<vmem_shared>> -> memref<10112x128xf32, #tpu.memory_space<vmem_shared>>
        tpu.wait_indirect_dma semaphore(%run_scoped3A_143 : memref<!tpu.dma_semaphore, #tpu.memory_space<semaphore_mem>>) src(%arg9 : memref<125x128xf32, #tpu.memory_space<vmem>>) dst(%dma_wait3A_155 : memref<10112x128xf32, #tpu.memory_space<vmem_shared>>)
        tpu.yield
      }) : () -> ()
      %add3A_133 = arith.constant 1 : i32
      %add3A_134 = arith.addi %mul3A_104, %add3A_133 : i32
      %add3A_135 = arith.constant 2 : i32
      %add3A_136 = arith.addi %add3A_134, %add3A_135 : i32
      %dma_start3A_137 = arith.constant 0 : i32
      %dma_start3A_138 = tpu.memref_slice %arg6[%add3A_136, %dma_start3A_137] : memref<40x125xi32, #tpu.memory_space<vmem>> -> memref<1x125xi32, #tpu.memory_space<vmem>>
      %dma_start3A_139 = tpu.memref_squeeze %dma_start3A_138 : memref<1x125xi32, #tpu.memory_space<vmem>> -> memref<125xi32, #tpu.memory_space<vmem>>
      %dma_start3A_140 = arith.constant 0 : i32
      %dma_start3A_141 = arith.constant 0 : i32
      %dma_start3A_142 = tpu.memref_slice %arg2[%dma_start3A_140, %dma_start3A_141] : memref<10000x128xf32, #tpu.memory_space<hbm>> -> memref<10000x128xf32, #tpu.memory_space<hbm>>
      tpu.enqueue_indirect_dma source(%dma_start3A_142 : memref<10000x128xf32, #tpu.memory_space<hbm>>) target(%arg9 : memref<125x128xf32, #tpu.memory_space<vmem>>) offsets(%dma_start3A_139 : memref<125xi32, #tpu.memory_space<vmem>>) semaphore(%arg12 : memref<!tpu.dma_semaphore, #tpu.memory_space<semaphore_mem>>)
    }
    %scan3A_33 = arith.constant 19 : i32
    %dma_wait3A = arith.constant 0 : i32
    %dma_wait3A_34 = arith.constant 0 : i32
    %dma_wait3A_35 = tpu.memref_slice %arg6[%dma_wait3A, %dma_wait3A_34] : memref<40x125xi32, #tpu.memory_space<vmem>> -> memref<1x125xi32, #tpu.memory_space<vmem>>
    %dma_wait3A_36 = tpu.memref_squeeze %dma_wait3A_35 : memref<1x125xi32, #tpu.memory_space<vmem>> -> memref<125xi32, #tpu.memory_space<vmem>>
    %dma_wait3A_37 = arith.constant 0 : i32
    %dma_wait3A_38 = arith.constant 0 : i32
    %dma_wait3A_39 = tpu.memref_slice %arg2[%dma_wait3A_37, %dma_wait3A_38] : memref<10000x128xf32, #tpu.memory_space<hbm>> -> memref<10000x128xf32, #tpu.memory_space<hbm>>
    tpu.wait_indirect_dma semaphore(%arg11 : memref<!tpu.dma_semaphore, #tpu.memory_space<semaphore_mem>>) src(%dma_wait3A_39 : memref<10000x128xf32, #tpu.memory_space<hbm>>) dst(%arg8 : memref<125x128xf32, #tpu.memory_space<vmem>>)
    %run_scoped3A_40 = arith.constant 38 : i32
    "tpu.region"() ({
      %run_scoped3A_102 = tpu.sem_alloc : memref<!tpu.dma_semaphore, #tpu.memory_space<semaphore_mem>>
      %dma_start3A_103 = arith.constant 0 : i32
      %dma_start3A_104 = tpu.memref_slice %arg7[%run_scoped3A_40, %dma_start3A_103] : memref<40x125xi32, #tpu.memory_space<vmem>> -> memref<1x125xi32, #tpu.memory_space<vmem>>
      %dma_start3A_105 = tpu.memref_squeeze %dma_start3A_104 : memref<1x125xi32, #tpu.memory_space<vmem>> -> memref<125xi32, #tpu.memory_space<vmem>>
      %dma_start3A_106 = arith.constant 0 : i32
      %dma_start3A_107 = arith.constant 0 : i32
      %dma_start3A_108 = tpu.memref_slice %arg10[%dma_start3A_106, %dma_start3A_107] : memref<10112x128xf32, #tpu.memory_space<vmem_shared>> -> memref<10112x128xf32, #tpu.memory_space<vmem_shared>>
      tpu.enqueue_indirect_dma source(%arg8 : memref<125x128xf32, #tpu.memory_space<vmem>>) target(%dma_start3A_108 : memref<10112x128xf32, #tpu.memory_space<vmem_shared>>) offsets(%dma_start3A_105 : memref<125xi32, #tpu.memory_space<vmem>>) semaphore(%run_scoped3A_102 : memref<!tpu.dma_semaphore, #tpu.memory_space<semaphore_mem>>) {add = true}
      %dma_wait3A_109 = arith.constant 0 : i32
      %dma_wait3A_110 = tpu.memref_slice %arg7[%run_scoped3A_40, %dma_wait3A_109] : memref<40x125xi32, #tpu.memory_space<vmem>> -> memref<1x125xi32, #tpu.memory_space<vmem>>
      %dma_wait3A_111 = tpu.memref_squeeze %dma_wait3A_110 : memref<1x125xi32, #tpu.memory_space<vmem>> -> memref<125xi32, #tpu.memory_space<vmem>>
      %dma_wait3A_112 = arith.constant 0 : i32
      %dma_wait3A_113 = arith.constant 0 : i32
      %dma_wait3A_114 = tpu.memref_slice %arg10[%dma_wait3A_112, %dma_wait3A_113] : memref<10112x128xf32, #tpu.memory_space<vmem_shared>> -> memref<10112x128xf32, #tpu.memory_space<vmem_shared>>
      tpu.wait_indirect_dma semaphore(%run_scoped3A_102 : memref<!tpu.dma_semaphore, #tpu.memory_space<semaphore_mem>>) src(%arg8 : memref<125x128xf32, #tpu.memory_space<vmem>>) dst(%dma_wait3A_114 : memref<10112x128xf32, #tpu.memory_space<vmem_shared>>)
      tpu.yield
    }) : () -> ()
    %dma_wait3A_41 = arith.constant 0 : i32
    %dma_wait3A_42 = arith.constant 0 : i32
    %dma_wait3A_43 = tpu.memref_slice %arg6[%dma_wait3A_41, %dma_wait3A_42] : memref<40x125xi32, #tpu.memory_space<vmem>> -> memref<1x125xi32, #tpu.memory_space<vmem>>
    %dma_wait3A_44 = tpu.memref_squeeze %dma_wait3A_43 : memref<1x125xi32, #tpu.memory_space<vmem>> -> memref<125xi32, #tpu.memory_space<vmem>>
    %dma_wait3A_45 = arith.constant 0 : i32
    %dma_wait3A_46 = arith.constant 0 : i32
    %dma_wait3A_47 = tpu.memref_slice %arg2[%dma_wait3A_45, %dma_wait3A_46] : memref<10000x128xf32, #tpu.memory_space<hbm>> -> memref<10000x128xf32, #tpu.memory_space<hbm>>
    tpu.wait_indirect_dma semaphore(%arg12 : memref<!tpu.dma_semaphore, #tpu.memory_space<semaphore_mem>>) src(%dma_wait3A_47 : memref<10000x128xf32, #tpu.memory_space<hbm>>) dst(%arg9 : memref<125x128xf32, #tpu.memory_space<vmem>>)
    %run_scoped3A_48 = arith.constant 39 : i32
    "tpu.region"() ({
      %run_scoped3A_102 = tpu.sem_alloc : memref<!tpu.dma_semaphore, #tpu.memory_space<semaphore_mem>>
      %dma_start3A_103 = arith.constant 0 : i32
      %dma_start3A_104 = tpu.memref_slice %arg7[%run_scoped3A_48, %dma_start3A_103] : memref<40x125xi32, #tpu.memory_space<vmem>> -> memref<1x125xi32, #tpu.memory_space<vmem>>
      %dma_start3A_105 = tpu.memref_squeeze %dma_start3A_104 : memref<1x125xi32, #tpu.memory_space<vmem>> -> memref<125xi32, #tpu.memory_space<vmem>>
      %dma_start3A_106 = arith.constant 0 : i32
      %dma_start3A_107 = arith.constant 0 : i32
      %dma_start3A_108 = tpu.memref_slice %arg10[%dma_start3A_106, %dma_start3A_107] : memref<10112x128xf32, #tpu.memory_space<vmem_shared>> -> memref<10112x128xf32, #tpu.memory_space<vmem_shared>>
      tpu.enqueue_indirect_dma source(%arg9 : memref<125x128xf32, #tpu.memory_space<vmem>>) target(%dma_start3A_108 : memref<10112x128xf32, #tpu.memory_space<vmem_shared>>) offsets(%dma_start3A_105 : memref<125xi32, #tpu.memory_space<vmem>>) semaphore(%run_scoped3A_102 : memref<!tpu.dma_semaphore, #tpu.memory_space<semaphore_mem>>) {add = true}
      %dma_wait3A_109 = arith.constant 0 : i32
      %dma_wait3A_110 = tpu.memref_slice %arg7[%run_scoped3A_48, %dma_wait3A_109] : memref<40x125xi32, #tpu.memory_space<vmem>> -> memref<1x125xi32, #tpu.memory_space<vmem>>
      %dma_wait3A_111 = tpu.memref_squeeze %dma_wait3A_110 : memref<1x125xi32, #tpu.memory_space<vmem>> -> memref<125xi32, #tpu.memory_space<vmem>>
      %dma_wait3A_112 = arith.constant 0 : i32
      %dma_wait3A_113 = arith.constant 0 : i32
      %dma_wait3A_114 = tpu.memref_slice %arg10[%dma_wait3A_112, %dma_wait3A_113] : memref<10112x128xf32, #tpu.memory_space<vmem_shared>> -> memref<10112x128xf32, #tpu.memory_space<vmem_shared>>
      tpu.wait_indirect_dma semaphore(%run_scoped3A_102 : memref<!tpu.dma_semaphore, #tpu.memory_space<semaphore_mem>>) src(%arg9 : memref<125x128xf32, #tpu.memory_space<vmem>>) dst(%dma_wait3A_114 : memref<10112x128xf32, #tpu.memory_space<vmem_shared>>)
      tpu.yield
    }) : () -> ()
    %run_scoped3A_49 = arith.constant 0 : i32
    "tpu.region"() ({
      %run_scoped3A_102 = tpu.sem_alloc : memref<!tpu.dma_semaphore, #tpu.memory_space<semaphore_mem>>
      %dma_start3A_103 = arith.constant 0 : i32
      %dma_start3A_104 = arith.constant 0 : i32
      %dma_start3A_105 = arith.constant 0 : i32
      %dma_start3A_106 = tpu.memref_slice %arg3[%run_scoped3A_49, %dma_start3A_103, %dma_start3A_104, %dma_start3A_105] : memref<2x32x80x125xi32, #tpu.memory_space<hbm>> -> memref<1x32x80x125xi32, #tpu.memory_space<hbm>>
      %dma_start3A_107 = tpu.memref_squeeze %dma_start3A_106 : memref<1x32x80x125xi32, #tpu.memory_space<hbm>> -> memref<32x80x125xi32, #tpu.memory_space<hbm>>
      %dma_start3A_108 = arith.constant 0 : i32
      %dma_start3A_109 = arith.constant 0 : i32
      %dma_start3A_110 = tpu.memref_slice %dma_start3A_107[%add3A, %dma_start3A_108, %dma_start3A_109] : memref<32x80x125xi32, #tpu.memory_space<hbm>> -> memref<1x80x125xi32, #tpu.memory_space<hbm>>
      %dma_start3A_111 = tpu.memref_squeeze %dma_start3A_110 : memref<1x80x125xi32, #tpu.memory_space<hbm>> -> memref<80x125xi32, #tpu.memory_space<hbm>>
      %dma_start3A_112 = arith.constant 40 : i32
      %dma_start3A_113 = arith.constant 0 : i32
      %dma_start3A_114 = tpu.memref_slice %dma_start3A_111[%dma_start3A_112, %dma_start3A_113] : memref<80x125xi32, #tpu.memory_space<hbm>> -> memref<40x125xi32, #tpu.memory_space<hbm>>
      %dma_start3A_115 = arith.constant 0 : i32
      %dma_start3A_116 = arith.constant 0 : i32
      %dma_start3A_117 = arith.constant 0 : i32
      %dma_start3A_118 = tpu.memref_slice %arg3[%run_scoped3A_49, %dma_start3A_115, %dma_start3A_116, %dma_start3A_117] : memref<2x32x80x125xi32, #tpu.memory_space<hbm>> -> memref<1x32x80x125xi32, #tpu.memory_space<hbm>>
      %dma_start3A_119 = tpu.memref_squeeze %dma_start3A_118 : memref<1x32x80x125xi32, #tpu.memory_space<hbm>> -> memref<32x80x125xi32, #tpu.memory_space<hbm>>
      %dma_start3A_120 = arith.constant 0 : i32
      %dma_start3A_121 = arith.constant 0 : i32
      %dma_start3A_122 = tpu.memref_slice %dma_start3A_119[%add3A, %dma_start3A_120, %dma_start3A_121] : memref<32x80x125xi32, #tpu.memory_space<hbm>> -> memref<1x80x125xi32, #tpu.memory_space<hbm>>
      %dma_start3A_123 = tpu.memref_squeeze %dma_start3A_122 : memref<1x80x125xi32, #tpu.memory_space<hbm>> -> memref<80x125xi32, #tpu.memory_space<hbm>>
      %dma_start3A_124 = arith.constant 40 : i32
      %dma_start3A_125 = arith.constant 0 : i32
      %dma_start3A_126 = tpu.memref_slice %dma_start3A_123[%dma_start3A_124, %dma_start3A_125] : memref<80x125xi32, #tpu.memory_space<hbm>> -> memref<40x125xi32, #tpu.memory_space<hbm>>
      tpu.enqueue_dma source(%dma_start3A_126 : memref<40x125xi32, #tpu.memory_space<hbm>>) target(%arg6 : memref<40x125xi32, #tpu.memory_space<vmem>>) target_semaphore(%run_scoped3A_102 : memref<!tpu.dma_semaphore, #tpu.memory_space<semaphore_mem>>)
      %dma_wait3A_127 = arith.constant 0 : i32
      %dma_wait3A_128 = arith.constant 0 : i32
      %dma_wait3A_129 = arith.constant 0 : i32
      %dma_wait3A_130 = tpu.memref_slice %arg3[%run_scoped3A_49, %dma_wait3A_127, %dma_wait3A_128, %dma_wait3A_129] : memref<2x32x80x125xi32, #tpu.memory_space<hbm>> -> memref<1x32x80x125xi32, #tpu.memory_space<hbm>>
      %dma_wait3A_131 = tpu.memref_squeeze %dma_wait3A_130 : memref<1x32x80x125xi32, #tpu.memory_space<hbm>> -> memref<32x80x125xi32, #tpu.memory_space<hbm>>
      %dma_wait3A_132 = arith.constant 0 : i32
      %dma_wait3A_133 = arith.constant 0 : i32
      %dma_wait3A_134 = tpu.memref_slice %dma_wait3A_131[%add3A, %dma_wait3A_132, %dma_wait3A_133] : memref<32x80x125xi32, #tpu.memory_space<hbm>> -> memref<1x80x125xi32, #tpu.memory_space<hbm>>
      %dma_wait3A_135 = tpu.memref_squeeze %dma_wait3A_134 : memref<1x80x125xi32, #tpu.memory_space<hbm>> -> memref<80x125xi32, #tpu.memory_space<hbm>>
      %dma_wait3A_136 = arith.constant 40 : i32
      %dma_wait3A_137 = arith.constant 0 : i32
      %dma_wait3A_138 = tpu.memref_slice %dma_wait3A_135[%dma_wait3A_136, %dma_wait3A_137] : memref<80x125xi32, #tpu.memory_space<hbm>> -> memref<40x125xi32, #tpu.memory_space<hbm>>
      %dma_wait3A_139 = arith.constant 0 : i32
      %dma_wait3A_140 = arith.constant 0 : i32
      %dma_wait3A_141 = arith.constant 0 : i32
      %dma_wait3A_142 = tpu.memref_slice %arg3[%run_scoped3A_49, %dma_wait3A_139, %dma_wait3A_140, %dma_wait3A_141] : memref<2x32x80x125xi32, #tpu.memory_space<hbm>> -> memref<1x32x80x125xi32, #tpu.memory_space<hbm>>
      %dma_wait3A_143 = tpu.memref_squeeze %dma_wait3A_142 : memref<1x32x80x125xi32, #tpu.memory_space<hbm>> -> memref<32x80x125xi32, #tpu.memory_space<hbm>>
      %dma_wait3A_144 = arith.constant 0 : i32
      %dma_wait3A_145 = arith.constant 0 : i32
      %dma_wait3A_146 = tpu.memref_slice %dma_wait3A_143[%add3A, %dma_wait3A_144, %dma_wait3A_145] : memref<32x80x125xi32, #tpu.memory_space<hbm>> -> memref<1x80x125xi32, #tpu.memory_space<hbm>>
      %dma_wait3A_147 = tpu.memref_squeeze %dma_wait3A_146 : memref<1x80x125xi32, #tpu.memory_space<hbm>> -> memref<80x125xi32, #tpu.memory_space<hbm>>
      %dma_wait3A_148 = arith.constant 40 : i32
      %dma_wait3A_149 = arith.constant 0 : i32
      %dma_wait3A_150 = tpu.memref_slice %dma_wait3A_147[%dma_wait3A_148, %dma_wait3A_149] : memref<80x125xi32, #tpu.memory_space<hbm>> -> memref<40x125xi32, #tpu.memory_space<hbm>>
      tpu.wait_dma2 semaphore(%run_scoped3A_102 : memref<!tpu.dma_semaphore, #tpu.memory_space<semaphore_mem>>) src(%dma_wait3A_150 : memref<40x125xi32, #tpu.memory_space<hbm>>) dst(%arg6 : memref<40x125xi32, #tpu.memory_space<vmem>>)
      tpu.yield
    }) : () -> ()
    %run_scoped3A_50 = arith.constant 1 : i32
    "tpu.region"() ({
      %run_scoped3A_102 = tpu.sem_alloc : memref<!tpu.dma_semaphore, #tpu.memory_space<semaphore_mem>>
      %dma_start3A_103 = arith.constant 0 : i32
      %dma_start3A_104 = arith.constant 0 : i32
      %dma_start3A_105 = arith.constant 0 : i32
      %dma_start3A_106 = tpu.memref_slice %arg3[%run_scoped3A_50, %dma_start3A_103, %dma_start3A_104, %dma_start3A_105] : memref<2x32x80x125xi32, #tpu.memory_space<hbm>> -> memref<1x32x80x125xi32, #tpu.memory_space<hbm>>
      %dma_start3A_107 = tpu.memref_squeeze %dma_start3A_106 : memref<1x32x80x125xi32, #tpu.memory_space<hbm>> -> memref<32x80x125xi32, #tpu.memory_space<hbm>>
      %dma_start3A_108 = arith.constant 0 : i32
      %dma_start3A_109 = arith.constant 0 : i32
      %dma_start3A_110 = tpu.memref_slice %dma_start3A_107[%add3A, %dma_start3A_108, %dma_start3A_109] : memref<32x80x125xi32, #tpu.memory_space<hbm>> -> memref<1x80x125xi32, #tpu.memory_space<hbm>>
      %dma_start3A_111 = tpu.memref_squeeze %dma_start3A_110 : memref<1x80x125xi32, #tpu.memory_space<hbm>> -> memref<80x125xi32, #tpu.memory_space<hbm>>
      %dma_start3A_112 = arith.constant 40 : i32
      %dma_start3A_113 = arith.constant 0 : i32
      %dma_start3A_114 = tpu.memref_slice %dma_start3A_111[%dma_start3A_112, %dma_start3A_113] : memref<80x125xi32, #tpu.memory_space<hbm>> -> memref<40x125xi32, #tpu.memory_space<hbm>>
      %dma_start3A_115 = arith.constant 0 : i32
      %dma_start3A_116 = arith.constant 0 : i32
      %dma_start3A_117 = arith.constant 0 : i32
      %dma_start3A_118 = tpu.memref_slice %arg3[%run_scoped3A_50, %dma_start3A_115, %dma_start3A_116, %dma_start3A_117] : memref<2x32x80x125xi32, #tpu.memory_space<hbm>> -> memref<1x32x80x125xi32, #tpu.memory_space<hbm>>
      %dma_start3A_119 = tpu.memref_squeeze %dma_start3A_118 : memref<1x32x80x125xi32, #tpu.memory_space<hbm>> -> memref<32x80x125xi32, #tpu.memory_space<hbm>>
      %dma_start3A_120 = arith.constant 0 : i32
      %dma_start3A_121 = arith.constant 0 : i32
      %dma_start3A_122 = tpu.memref_slice %dma_start3A_119[%add3A, %dma_start3A_120, %dma_start3A_121] : memref<32x80x125xi32, #tpu.memory_space<hbm>> -> memref<1x80x125xi32, #tpu.memory_space<hbm>>
      %dma_start3A_123 = tpu.memref_squeeze %dma_start3A_122 : memref<1x80x125xi32, #tpu.memory_space<hbm>> -> memref<80x125xi32, #tpu.memory_space<hbm>>
      %dma_start3A_124 = arith.constant 40 : i32
      %dma_start3A_125 = arith.constant 0 : i32
      %dma_start3A_126 = tpu.memref_slice %dma_start3A_123[%dma_start3A_124, %dma_start3A_125] : memref<80x125xi32, #tpu.memory_space<hbm>> -> memref<40x125xi32, #tpu.memory_space<hbm>>
      tpu.enqueue_dma source(%dma_start3A_126 : memref<40x125xi32, #tpu.memory_space<hbm>>) target(%arg7 : memref<40x125xi32, #tpu.memory_space<vmem>>) target_semaphore(%run_scoped3A_102 : memref<!tpu.dma_semaphore, #tpu.memory_space<semaphore_mem>>)
      %dma_wait3A_127 = arith.constant 0 : i32
      %dma_wait3A_128 = arith.constant 0 : i32
      %dma_wait3A_129 = arith.constant 0 : i32
      %dma_wait3A_130 = tpu.memref_slice %arg3[%run_scoped3A_50, %dma_wait3A_127, %dma_wait3A_128, %dma_wait3A_129] : memref<2x32x80x125xi32, #tpu.memory_space<hbm>> -> memref<1x32x80x125xi32, #tpu.memory_space<hbm>>
      %dma_wait3A_131 = tpu.memref_squeeze %dma_wait3A_130 : memref<1x32x80x125xi32, #tpu.memory_space<hbm>> -> memref<32x80x125xi32, #tpu.memory_space<hbm>>
      %dma_wait3A_132 = arith.constant 0 : i32
      %dma_wait3A_133 = arith.constant 0 : i32
      %dma_wait3A_134 = tpu.memref_slice %dma_wait3A_131[%add3A, %dma_wait3A_132, %dma_wait3A_133] : memref<32x80x125xi32, #tpu.memory_space<hbm>> -> memref<1x80x125xi32, #tpu.memory_space<hbm>>
      %dma_wait3A_135 = tpu.memref_squeeze %dma_wait3A_134 : memref<1x80x125xi32, #tpu.memory_space<hbm>> -> memref<80x125xi32, #tpu.memory_space<hbm>>
      %dma_wait3A_136 = arith.constant 40 : i32
      %dma_wait3A_137 = arith.constant 0 : i32
      %dma_wait3A_138 = tpu.memref_slice %dma_wait3A_135[%dma_wait3A_136, %dma_wait3A_137] : memref<80x125xi32, #tpu.memory_space<hbm>> -> memref<40x125xi32, #tpu.memory_space<hbm>>
      %dma_wait3A_139 = arith.constant 0 : i32
      %dma_wait3A_140 = arith.constant 0 : i32
      %dma_wait3A_141 = arith.constant 0 : i32
      %dma_wait3A_142 = tpu.memref_slice %arg3[%run_scoped3A_50, %dma_wait3A_139, %dma_wait3A_140, %dma_wait3A_141] : memref<2x32x80x125xi32, #tpu.memory_space<hbm>> -> memref<1x32x80x125xi32, #tpu.memory_space<hbm>>
      %dma_wait3A_143 = tpu.memref_squeeze %dma_wait3A_142 : memref<1x32x80x125xi32, #tpu.memory_space<hbm>> -> memref<32x80x125xi32, #tpu.memory_space<hbm>>
      %dma_wait3A_144 = arith.constant 0 : i32
      %dma_wait3A_145 = arith.constant 0 : i32
      %dma_wait3A_146 = tpu.memref_slice %dma_wait3A_143[%add3A, %dma_wait3A_144, %dma_wait3A_145] : memref<32x80x125xi32, #tpu.memory_space<hbm>> -> memref<1x80x125xi32, #tpu.memory_space<hbm>>
      %dma_wait3A_147 = tpu.memref_squeeze %dma_wait3A_146 : memref<1x80x125xi32, #tpu.memory_space<hbm>> -> memref<80x125xi32, #tpu.memory_space<hbm>>
      %dma_wait3A_148 = arith.constant 40 : i32
      %dma_wait3A_149 = arith.constant 0 : i32
      %dma_wait3A_150 = tpu.memref_slice %dma_wait3A_147[%dma_wait3A_148, %dma_wait3A_149] : memref<80x125xi32, #tpu.memory_space<hbm>> -> memref<40x125xi32, #tpu.memory_space<hbm>>
      tpu.wait_dma2 semaphore(%run_scoped3A_102 : memref<!tpu.dma_semaphore, #tpu.memory_space<semaphore_mem>>) src(%dma_wait3A_150 : memref<40x125xi32, #tpu.memory_space<hbm>>) dst(%arg7 : memref<40x125xi32, #tpu.memory_space<vmem>>)
      tpu.yield
    }) : () -> ()
    %dma_start3A_51 = arith.constant 0 : i32
    %dma_start3A_52 = arith.constant 0 : i32
    %dma_start3A_53 = tpu.memref_slice %arg6[%dma_start3A_51, %dma_start3A_52] : memref<40x125xi32, #tpu.memory_space<vmem>> -> memref<1x125xi32, #tpu.memory_space<vmem>>
    %dma_start3A_54 = tpu.memref_squeeze %dma_start3A_53 : memref<1x125xi32, #tpu.memory_space<vmem>> -> memref<125xi32, #tpu.memory_space<vmem>>
    %dma_start3A_55 = arith.constant 0 : i32
    %dma_start3A_56 = arith.constant 0 : i32
    %dma_start3A_57 = tpu.memref_slice %arg2[%dma_start3A_55, %dma_start3A_56] : memref<10000x128xf32, #tpu.memory_space<hbm>> -> memref<10000x128xf32, #tpu.memory_space<hbm>>
    tpu.enqueue_indirect_dma source(%dma_start3A_57 : memref<10000x128xf32, #tpu.memory_space<hbm>>) target(%arg8 : memref<125x128xf32, #tpu.memory_space<vmem>>) offsets(%dma_start3A_54 : memref<125xi32, #tpu.memory_space<vmem>>) semaphore(%arg11 : memref<!tpu.dma_semaphore, #tpu.memory_space<semaphore_mem>>)
    %dma_start3A_58 = arith.constant 1 : i32
    %dma_start3A_59 = arith.constant 0 : i32
    %dma_start3A_60 = tpu.memref_slice %arg6[%dma_start3A_58, %dma_start3A_59] : memref<40x125xi32, #tpu.memory_space<vmem>> -> memref<1x125xi32, #tpu.memory_space<vmem>>
    %dma_start3A_61 = tpu.memref_squeeze %dma_start3A_60 : memref<1x125xi32, #tpu.memory_space<vmem>> -> memref<125xi32, #tpu.memory_space<vmem>>
    %dma_start3A_62 = arith.constant 0 : i32
    %dma_start3A_63 = arith.constant 0 : i32
    %dma_start3A_64 = tpu.memref_slice %arg2[%dma_start3A_62, %dma_start3A_63] : memref<10000x128xf32, #tpu.memory_space<hbm>> -> memref<10000x128xf32, #tpu.memory_space<hbm>>
    tpu.enqueue_indirect_dma source(%dma_start3A_64 : memref<10000x128xf32, #tpu.memory_space<hbm>>) target(%arg9 : memref<125x128xf32, #tpu.memory_space<vmem>>) offsets(%dma_start3A_61 : memref<125xi32, #tpu.memory_space<vmem>>) semaphore(%arg12 : memref<!tpu.dma_semaphore, #tpu.memory_space<semaphore_mem>>)
    %scan3A_65 = arith.constant 0 : i32
    %scan3A_66 = arith.constant 0 : i32
    %scan3A_67 = arith.constant 19 : i32
    %scan3A_68 = arith.addi %scan3A_66, %scan3A_67 : i32
    %scan3A_69 = arith.constant 1 : i32
    scf.for %scan3A_102 = %scan3A_66 to %scan3A_68 step %scan3A_69  : i32 {
      %mul3A_103 = arith.constant 2 : i32
      %mul3A_104 = arith.muli %scan3A_102, %mul3A_103 : i32
      %dma_wait3A_105 = arith.constant 0 : i32
      %dma_wait3A_106 = arith.constant 0 : i32
      %dma_wait3A_107 = tpu.memref_slice %arg6[%dma_wait3A_105, %dma_wait3A_106] : memref<40x125xi32, #tpu.memory_space<vmem>> -> memref<1x125xi32, #tpu.memory_space<vmem>>
      %dma_wait3A_108 = tpu.memref_squeeze %dma_wait3A_107 : memref<1x125xi32, #tpu.memory_space<vmem>> -> memref<125xi32, #tpu.memory_space<vmem>>
      %dma_wait3A_109 = arith.constant 0 : i32
      %dma_wait3A_110 = arith.constant 0 : i32
      %dma_wait3A_111 = tpu.memref_slice %arg2[%dma_wait3A_109, %dma_wait3A_110] : memref<10000x128xf32, #tpu.memory_space<hbm>> -> memref<10000x128xf32, #tpu.memory_space<hbm>>
      tpu.wait_indirect_dma semaphore(%arg11 : memref<!tpu.dma_semaphore, #tpu.memory_space<semaphore_mem>>) src(%dma_wait3A_111 : memref<10000x128xf32, #tpu.memory_space<hbm>>) dst(%arg8 : memref<125x128xf32, #tpu.memory_space<vmem>>)
      %add3A_112 = arith.constant 0 : i32
      %add3A_113 = arith.addi %mul3A_104, %add3A_112 : i32
      "tpu.region"() ({
        %run_scoped3A_143 = tpu.sem_alloc : memref<!tpu.dma_semaphore, #tpu.memory_space<semaphore_mem>>
        %dma_start3A_144 = arith.constant 0 : i32
        %dma_start3A_145 = tpu.memref_slice %arg7[%add3A_113, %dma_start3A_144] : memref<40x125xi32, #tpu.memory_space<vmem>> -> memref<1x125xi32, #tpu.memory_space<vmem>>
        %dma_start3A_146 = tpu.memref_squeeze %dma_start3A_145 : memref<1x125xi32, #tpu.memory_space<vmem>> -> memref<125xi32, #tpu.memory_space<vmem>>
        %dma_start3A_147 = arith.constant 0 : i32
        %dma_start3A_148 = arith.constant 0 : i32
        %dma_start3A_149 = tpu.memref_slice %arg10[%dma_start3A_147, %dma_start3A_148] : memref<10112x128xf32, #tpu.memory_space<vmem_shared>> -> memref<10112x128xf32, #tpu.memory_space<vmem_shared>>
        tpu.enqueue_indirect_dma source(%arg8 : memref<125x128xf32, #tpu.memory_space<vmem>>) target(%dma_start3A_149 : memref<10112x128xf32, #tpu.memory_space<vmem_shared>>) offsets(%dma_start3A_146 : memref<125xi32, #tpu.memory_space<vmem>>) semaphore(%run_scoped3A_143 : memref<!tpu.dma_semaphore, #tpu.memory_space<semaphore_mem>>) {add = true}
        %dma_wait3A_150 = arith.constant 0 : i32
        %dma_wait3A_151 = tpu.memref_slice %arg7[%add3A_113, %dma_wait3A_150] : memref<40x125xi32, #tpu.memory_space<vmem>> -> memref<1x125xi32, #tpu.memory_space<vmem>>
        %dma_wait3A_152 = tpu.memref_squeeze %dma_wait3A_151 : memref<1x125xi32, #tpu.memory_space<vmem>> -> memref<125xi32, #tpu.memory_space<vmem>>
        %dma_wait3A_153 = arith.constant 0 : i32
        %dma_wait3A_154 = arith.constant 0 : i32
        %dma_wait3A_155 = tpu.memref_slice %arg10[%dma_wait3A_153, %dma_wait3A_154] : memref<10112x128xf32, #tpu.memory_space<vmem_shared>> -> memref<10112x128xf32, #tpu.memory_space<vmem_shared>>
        tpu.wait_indirect_dma semaphore(%run_scoped3A_143 : memref<!tpu.dma_semaphore, #tpu.memory_space<semaphore_mem>>) src(%arg8 : memref<125x128xf32, #tpu.memory_space<vmem>>) dst(%dma_wait3A_155 : memref<10112x128xf32, #tpu.memory_space<vmem_shared>>)
        tpu.yield
      }) : () -> ()
      %add3A_114 = arith.constant 0 : i32
      %add3A_115 = arith.addi %mul3A_104, %add3A_114 : i32
      %add3A_116 = arith.constant 2 : i32
      %add3A_117 = arith.addi %add3A_115, %add3A_116 : i32
      %dma_start3A_118 = arith.constant 0 : i32
      %dma_start3A_119 = tpu.memref_slice %arg6[%add3A_117, %dma_start3A_118] : memref<40x125xi32, #tpu.memory_space<vmem>> -> memref<1x125xi32, #tpu.memory_space<vmem>>
      %dma_start3A_120 = tpu.memref_squeeze %dma_start3A_119 : memref<1x125xi32, #tpu.memory_space<vmem>> -> memref<125xi32, #tpu.memory_space<vmem>>
      %dma_start3A_121 = arith.constant 0 : i32
      %dma_start3A_122 = arith.constant 0 : i32
      %dma_start3A_123 = tpu.memref_slice %arg2[%dma_start3A_121, %dma_start3A_122] : memref<10000x128xf32, #tpu.memory_space<hbm>> -> memref<10000x128xf32, #tpu.memory_space<hbm>>
      tpu.enqueue_indirect_dma source(%dma_start3A_123 : memref<10000x128xf32, #tpu.memory_space<hbm>>) target(%arg8 : memref<125x128xf32, #tpu.memory_space<vmem>>) offsets(%dma_start3A_120 : memref<125xi32, #tpu.memory_space<vmem>>) semaphore(%arg11 : memref<!tpu.dma_semaphore, #tpu.memory_space<semaphore_mem>>)
      %dma_wait3A_124 = arith.constant 0 : i32
      %dma_wait3A_125 = arith.constant 0 : i32
      %dma_wait3A_126 = tpu.memref_slice %arg6[%dma_wait3A_124, %dma_wait3A_125] : memref<40x125xi32, #tpu.memory_space<vmem>> -> memref<1x125xi32, #tpu.memory_space<vmem>>
      %dma_wait3A_127 = tpu.memref_squeeze %dma_wait3A_126 : memref<1x125xi32, #tpu.memory_space<vmem>> -> memref<125xi32, #tpu.memory_space<vmem>>
      %dma_wait3A_128 = arith.constant 0 : i32
      %dma_wait3A_129 = arith.constant 0 : i32
      %dma_wait3A_130 = tpu.memref_slice %arg2[%dma_wait3A_128, %dma_wait3A_129] : memref<10000x128xf32, #tpu.memory_space<hbm>> -> memref<10000x128xf32, #tpu.memory_space<hbm>>
      tpu.wait_indirect_dma semaphore(%arg12 : memref<!tpu.dma_semaphore, #tpu.memory_space<semaphore_mem>>) src(%dma_wait3A_130 : memref<10000x128xf32, #tpu.memory_space<hbm>>) dst(%arg9 : memref<125x128xf32, #tpu.memory_space<vmem>>)
      %add3A_131 = arith.constant 1 : i32
      %add3A_132 = arith.addi %mul3A_104, %add3A_131 : i32
      "tpu.region"() ({
        %run_scoped3A_143 = tpu.sem_alloc : memref<!tpu.dma_semaphore, #tpu.memory_space<semaphore_mem>>
        %dma_start3A_144 = arith.constant 0 : i32
        %dma_start3A_145 = tpu.memref_slice %arg7[%add3A_132, %dma_start3A_144] : memref<40x125xi32, #tpu.memory_space<vmem>> -> memref<1x125xi32, #tpu.memory_space<vmem>>
        %dma_start3A_146 = tpu.memref_squeeze %dma_start3A_145 : memref<1x125xi32, #tpu.memory_space<vmem>> -> memref<125xi32, #tpu.memory_space<vmem>>
        %dma_start3A_147 = arith.constant 0 : i32
        %dma_start3A_148 = arith.constant 0 : i32
        %dma_start3A_149 = tpu.memref_slice %arg10[%dma_start3A_147, %dma_start3A_148] : memref<10112x128xf32, #tpu.memory_space<vmem_shared>> -> memref<10112x128xf32, #tpu.memory_space<vmem_shared>>
        tpu.enqueue_indirect_dma source(%arg9 : memref<125x128xf32, #tpu.memory_space<vmem>>) target(%dma_start3A_149 : memref<10112x128xf32, #tpu.memory_space<vmem_shared>>) offsets(%dma_start3A_146 : memref<125xi32, #tpu.memory_space<vmem>>) semaphore(%run_scoped3A_143 : memref<!tpu.dma_semaphore, #tpu.memory_space<semaphore_mem>>) {add = true}
        %dma_wait3A_150 = arith.constant 0 : i32
        %dma_wait3A_151 = tpu.memref_slice %arg7[%add3A_132, %dma_wait3A_150] : memref<40x125xi32, #tpu.memory_space<vmem>> -> memref<1x125xi32, #tpu.memory_space<vmem>>
        %dma_wait3A_152 = tpu.memref_squeeze %dma_wait3A_151 : memref<1x125xi32, #tpu.memory_space<vmem>> -> memref<125xi32, #tpu.memory_space<vmem>>
        %dma_wait3A_153 = arith.constant 0 : i32
        %dma_wait3A_154 = arith.constant 0 : i32
        %dma_wait3A_155 = tpu.memref_slice %arg10[%dma_wait3A_153, %dma_wait3A_154] : memref<10112x128xf32, #tpu.memory_space<vmem_shared>> -> memref<10112x128xf32, #tpu.memory_space<vmem_shared>>
        tpu.wait_indirect_dma semaphore(%run_scoped3A_143 : memref<!tpu.dma_semaphore, #tpu.memory_space<semaphore_mem>>) src(%arg9 : memref<125x128xf32, #tpu.memory_space<vmem>>) dst(%dma_wait3A_155 : memref<10112x128xf32, #tpu.memory_space<vmem_shared>>)
        tpu.yield
      }) : () -> ()
      %add3A_133 = arith.constant 1 : i32
      %add3A_134 = arith.addi %mul3A_104, %add3A_133 : i32
      %add3A_135 = arith.constant 2 : i32
      %add3A_136 = arith.addi %add3A_134, %add3A_135 : i32
      %dma_start3A_137 = arith.constant 0 : i32
      %dma_start3A_138 = tpu.memref_slice %arg6[%add3A_136, %dma_start3A_137] : memref<40x125xi32, #tpu.memory_space<vmem>> -> memref<1x125xi32, #tpu.memory_space<vmem>>
      %dma_start3A_139 = tpu.memref_squeeze %dma_start3A_138 : memref<1x125xi32, #tpu.memory_space<vmem>> -> memref<125xi32, #tpu.memory_space<vmem>>
      %dma_start3A_140 = arith.constant 0 : i32
      %dma_start3A_141 = arith.constant 0 : i32
      %dma_start3A_142 = tpu.memref_slice %arg2[%dma_start3A_140, %dma_start3A_141] : memref<10000x128xf32, #tpu.memory_space<hbm>> -> memref<10000x128xf32, #tpu.memory_space<hbm>>
      tpu.enqueue_indirect_dma source(%dma_start3A_142 : memref<10000x128xf32, #tpu.memory_space<hbm>>) target(%arg9 : memref<125x128xf32, #tpu.memory_space<vmem>>) offsets(%dma_start3A_139 : memref<125xi32, #tpu.memory_space<vmem>>) semaphore(%arg12 : memref<!tpu.dma_semaphore, #tpu.memory_space<semaphore_mem>>)
    }
    %scan3A_70 = arith.constant 19 : i32
    %dma_wait3A_71 = arith.constant 0 : i32
    %dma_wait3A_72 = arith.constant 0 : i32
    %dma_wait3A_73 = tpu.memref_slice %arg6[%dma_wait3A_71, %dma_wait3A_72] : memref<40x125xi32, #tpu.memory_space<vmem>> -> memref<1x125xi32, #tpu.memory_space<vmem>>
    %dma_wait3A_74 = tpu.memref_squeeze %dma_wait3A_73 : memref<1x125xi32, #tpu.memory_space<vmem>> -> memref<125xi32, #tpu.memory_space<vmem>>
    %dma_wait3A_75 = arith.constant 0 : i32
    %dma_wait3A_76 = arith.constant 0 : i32
    %dma_wait3A_77 = tpu.memref_slice %arg2[%dma_wait3A_75, %dma_wait3A_76] : memref<10000x128xf32, #tpu.memory_space<hbm>> -> memref<10000x128xf32, #tpu.memory_space<hbm>>
    tpu.wait_indirect_dma semaphore(%arg11 : memref<!tpu.dma_semaphore, #tpu.memory_space<semaphore_mem>>) src(%dma_wait3A_77 : memref<10000x128xf32, #tpu.memory_space<hbm>>) dst(%arg8 : memref<125x128xf32, #tpu.memory_space<vmem>>)
    %run_scoped3A_78 = arith.constant 38 : i32
    "tpu.region"() ({
      %run_scoped3A_102 = tpu.sem_alloc : memref<!tpu.dma_semaphore, #tpu.memory_space<semaphore_mem>>
      %dma_start3A_103 = arith.constant 0 : i32
      %dma_start3A_104 = tpu.memref_slice %arg7[%run_scoped3A_78, %dma_start3A_103] : memref<40x125xi32, #tpu.memory_space<vmem>> -> memref<1x125xi32, #tpu.memory_space<vmem>>
      %dma_start3A_105 = tpu.memref_squeeze %dma_start3A_104 : memref<1x125xi32, #tpu.memory_space<vmem>> -> memref<125xi32, #tpu.memory_space<vmem>>
      %dma_start3A_106 = arith.constant 0 : i32
      %dma_start3A_107 = arith.constant 0 : i32
      %dma_start3A_108 = tpu.memref_slice %arg10[%dma_start3A_106, %dma_start3A_107] : memref<10112x128xf32, #tpu.memory_space<vmem_shared>> -> memref<10112x128xf32, #tpu.memory_space<vmem_shared>>
      tpu.enqueue_indirect_dma source(%arg8 : memref<125x128xf32, #tpu.memory_space<vmem>>) target(%dma_start3A_108 : memref<10112x128xf32, #tpu.memory_space<vmem_shared>>) offsets(%dma_start3A_105 : memref<125xi32, #tpu.memory_space<vmem>>) semaphore(%run_scoped3A_102 : memref<!tpu.dma_semaphore, #tpu.memory_space<semaphore_mem>>) {add = true}
      %dma_wait3A_109 = arith.constant 0 : i32
      %dma_wait3A_110 = tpu.memref_slice %arg7[%run_scoped3A_78, %dma_wait3A_109] : memref<40x125xi32, #tpu.memory_space<vmem>> -> memref<1x125xi32, #tpu.memory_space<vmem>>
      %dma_wait3A_111 = tpu.memref_squeeze %dma_wait3A_110 : memref<1x125xi32, #tpu.memory_space<vmem>> -> memref<125xi32, #tpu.memory_space<vmem>>
      %dma_wait3A_112 = arith.constant 0 : i32
      %dma_wait3A_113 = arith.constant 0 : i32
      %dma_wait3A_114 = tpu.memref_slice %arg10[%dma_wait3A_112, %dma_wait3A_113] : memref<10112x128xf32, #tpu.memory_space<vmem_shared>> -> memref<10112x128xf32, #tpu.memory_space<vmem_shared>>
      tpu.wait_indirect_dma semaphore(%run_scoped3A_102 : memref<!tpu.dma_semaphore, #tpu.memory_space<semaphore_mem>>) src(%arg8 : memref<125x128xf32, #tpu.memory_space<vmem>>) dst(%dma_wait3A_114 : memref<10112x128xf32, #tpu.memory_space<vmem_shared>>)
      tpu.yield
    }) : () -> ()
    %dma_wait3A_79 = arith.constant 0 : i32
    %dma_wait3A_80 = arith.constant 0 : i32
    %dma_wait3A_81 = tpu.memref_slice %arg6[%dma_wait3A_79, %dma_wait3A_80] : memref<40x125xi32, #tpu.memory_space<vmem>> -> memref<1x125xi32, #tpu.memory_space<vmem>>
    %dma_wait3A_82 = tpu.memref_squeeze %dma_wait3A_81 : memref<1x125xi32, #tpu.memory_space<vmem>> -> memref<125xi32, #tpu.memory_space<vmem>>
    %dma_wait3A_83 = arith.constant 0 : i32
    %dma_wait3A_84 = arith.constant 0 : i32
    %dma_wait3A_85 = tpu.memref_slice %arg2[%dma_wait3A_83, %dma_wait3A_84] : memref<10000x128xf32, #tpu.memory_space<hbm>> -> memref<10000x128xf32, #tpu.memory_space<hbm>>
    tpu.wait_indirect_dma semaphore(%arg12 : memref<!tpu.dma_semaphore, #tpu.memory_space<semaphore_mem>>) src(%dma_wait3A_85 : memref<10000x128xf32, #tpu.memory_space<hbm>>) dst(%arg9 : memref<125x128xf32, #tpu.memory_space<vmem>>)
    %run_scoped3A_86 = arith.constant 39 : i32
    "tpu.region"() ({
      %run_scoped3A_102 = tpu.sem_alloc : memref<!tpu.dma_semaphore, #tpu.memory_space<semaphore_mem>>
      %dma_start3A_103 = arith.constant 0 : i32
      %dma_start3A_104 = tpu.memref_slice %arg7[%run_scoped3A_86, %dma_start3A_103] : memref<40x125xi32, #tpu.memory_space<vmem>> -> memref<1x125xi32, #tpu.memory_space<vmem>>
      %dma_start3A_105 = tpu.memref_squeeze %dma_start3A_104 : memref<1x125xi32, #tpu.memory_space<vmem>> -> memref<125xi32, #tpu.memory_space<vmem>>
      %dma_start3A_106 = arith.constant 0 : i32
      %dma_start3A_107 = arith.constant 0 : i32
      %dma_start3A_108 = tpu.memref_slice %arg10[%dma_start3A_106, %dma_start3A_107] : memref<10112x128xf32, #tpu.memory_space<vmem_shared>> -> memref<10112x128xf32, #tpu.memory_space<vmem_shared>>
      tpu.enqueue_indirect_dma source(%arg9 : memref<125x128xf32, #tpu.memory_space<vmem>>) target(%dma_start3A_108 : memref<10112x128xf32, #tpu.memory_space<vmem_shared>>) offsets(%dma_start3A_105 : memref<125xi32, #tpu.memory_space<vmem>>) semaphore(%run_scoped3A_102 : memref<!tpu.dma_semaphore, #tpu.memory_space<semaphore_mem>>) {add = true}
      %dma_wait3A_109 = arith.constant 0 : i32
      %dma_wait3A_110 = tpu.memref_slice %arg7[%run_scoped3A_86, %dma_wait3A_109] : memref<40x125xi32, #tpu.memory_space<vmem>> -> memref<1x125xi32, #tpu.memory_space<vmem>>
      %dma_wait3A_111 = tpu.memref_squeeze %dma_wait3A_110 : memref<1x125xi32, #tpu.memory_space<vmem>> -> memref<125xi32, #tpu.memory_space<vmem>>
      %dma_wait3A_112 = arith.constant 0 : i32
      %dma_wait3A_113 = arith.constant 0 : i32
      %dma_wait3A_114 = tpu.memref_slice %arg10[%dma_wait3A_112, %dma_wait3A_113] : memref<10112x128xf32, #tpu.memory_space<vmem_shared>> -> memref<10112x128xf32, #tpu.memory_space<vmem_shared>>
      tpu.wait_indirect_dma semaphore(%run_scoped3A_102 : memref<!tpu.dma_semaphore, #tpu.memory_space<semaphore_mem>>) src(%arg9 : memref<125x128xf32, #tpu.memory_space<vmem>>) dst(%dma_wait3A_114 : memref<10112x128xf32, #tpu.memory_space<vmem_shared>>)
      tpu.yield
    }) : () -> ()
    "tpu.trace_stop"() : () -> ()
    %barrier3A_87 = arith.constant 0 : index
    tpu.barrier barrier_id(%barrier3A_87)
    "tpu.trace_start"() <{level = 10 : i32, message = "copy_out"}> : () -> ()
    %mul3A_88 = arith.constant 632 : i32
    %mul3A_89 = arith.muli %arg1, %mul3A_88 : i32
    "tpu.region"() ({
      %run_scoped3A_102 = tpu.sem_alloc : memref<!tpu.dma_semaphore, #tpu.memory_space<semaphore_mem>>
      %dma_start3A_103 = arith.constant 0 : i32
      %dma_start3A_104 = arith.constant 0 : i32
      %dma_start3A_105 = tpu.memref_slice %arg5[%arg0, %dma_start3A_103, %dma_start3A_104] : memref<2x10112x128xf32, #tpu.memory_space<hbm>> -> memref<1x10112x128xf32, #tpu.memory_space<hbm>>
      %dma_start3A_106 = tpu.memref_squeeze %dma_start3A_105 : memref<1x10112x128xf32, #tpu.memory_space<hbm>> -> memref<10112x128xf32, #tpu.memory_space<hbm>>
      %dma_start3A_107 = arith.constant 0 : i32
      %dma_start3A_108 = tpu.memref_slice %dma_start3A_106[%mul3A_89, %dma_start3A_107] : memref<10112x128xf32, #tpu.memory_space<hbm>> -> memref<120x128xf32, #tpu.memory_space<hbm>>
      %dma_start3A_109 = arith.constant 0 : i32
      %dma_start3A_110 = tpu.memref_slice %arg10[%mul3A_89, %dma_start3A_109] : memref<10112x128xf32, #tpu.memory_space<vmem_shared>> -> memref<120x128xf32, #tpu.memory_space<vmem_shared>>
      tpu.enqueue_dma source(%dma_start3A_110 : memref<120x128xf32, #tpu.memory_space<vmem_shared>>) target(%dma_start3A_108 : memref<120x128xf32, #tpu.memory_space<hbm>>) target_semaphore(%run_scoped3A_102 : memref<!tpu.dma_semaphore, #tpu.memory_space<semaphore_mem>>)
      %dma_wait3A_111 = arith.constant 0 : i32
      %dma_wait3A_112 = arith.constant 0 : i32
      %dma_wait3A_113 = tpu.memref_slice %arg5[%arg0, %dma_wait3A_111, %dma_wait3A_112] : memref<2x10112x128xf32, #tpu.memory_space<hbm>> -> memref<1x10112x128xf32, #tpu.memory_space<hbm>>
      %dma_wait3A_114 = tpu.memref_squeeze %dma_wait3A_113 : memref<1x10112x128xf32, #tpu.memory_space<hbm>> -> memref<10112x128xf32, #tpu.memory_space<hbm>>
      %dma_wait3A_115 = arith.constant 0 : i32
      %dma_wait3A_116 = tpu.memref_slice %dma_wait3A_114[%mul3A_89, %dma_wait3A_115] : memref<10112x128xf32, #tpu.memory_space<hbm>> -> memref<120x128xf32, #tpu.memory_space<hbm>>
      %dma_wait3A_117 = arith.constant 0 : i32
      %dma_wait3A_118 = tpu.memref_slice %arg10[%mul3A_89, %dma_wait3A_117] : memref<10112x128xf32, #tpu.memory_space<vmem_shared>> -> memref<120x128xf32, #tpu.memory_space<vmem_shared>>
      tpu.wait_dma2 semaphore(%run_scoped3A_102 : memref<!tpu.dma_semaphore, #tpu.memory_space<semaphore_mem>>) src(%dma_wait3A_118 : memref<120x128xf32, #tpu.memory_space<vmem_shared>>) dst(%dma_wait3A_116 : memref<120x128xf32, #tpu.memory_space<hbm>>)
      tpu.yield
    }) : () -> ()
    %add3A_90 = arith.constant 120 : i32
    %add3A_91 = arith.addi %mul3A_89, %add3A_90 : i32
    "tpu.region"() ({
      %run_scoped3A_102 = tpu.sem_alloc : memref<!tpu.dma_semaphore, #tpu.memory_space<semaphore_mem>>
      %dma_start3A_103 = arith.constant 0 : i32
      %dma_start3A_104 = arith.constant 0 : i32
      %dma_start3A_105 = tpu.memref_slice %arg5[%arg0, %dma_start3A_103, %dma_start3A_104] : memref<2x10112x128xf32, #tpu.memory_space<hbm>> -> memref<1x10112x128xf32, #tpu.memory_space<hbm>>
      %dma_start3A_106 = tpu.memref_squeeze %dma_start3A_105 : memref<1x10112x128xf32, #tpu.memory_space<hbm>> -> memref<10112x128xf32, #tpu.memory_space<hbm>>
      %dma_start3A_107 = arith.constant 0 : i32
      %dma_start3A_108 = tpu.memref_slice %dma_start3A_106[%add3A_91, %dma_start3A_107] : memref<10112x128xf32, #tpu.memory_space<hbm>> -> memref<120x128xf32, #tpu.memory_space<hbm>>
      %dma_start3A_109 = arith.constant 0 : i32
      %dma_start3A_110 = tpu.memref_slice %arg10[%add3A_91, %dma_start3A_109] : memref<10112x128xf32, #tpu.memory_space<vmem_shared>> -> memref<120x128xf32, #tpu.memory_space<vmem_shared>>
      tpu.enqueue_dma source(%dma_start3A_110 : memref<120x128xf32, #tpu.memory_space<vmem_shared>>) target(%dma_start3A_108 : memref<120x128xf32, #tpu.memory_space<hbm>>) target_semaphore(%run_scoped3A_102 : memref<!tpu.dma_semaphore, #tpu.memory_space<semaphore_mem>>)
      %dma_wait3A_111 = arith.constant 0 : i32
      %dma_wait3A_112 = arith.constant 0 : i32
      %dma_wait3A_113 = tpu.memref_slice %arg5[%arg0, %dma_wait3A_111, %dma_wait3A_112] : memref<2x10112x128xf32, #tpu.memory_space<hbm>> -> memref<1x10112x128xf32, #tpu.memory_space<hbm>>
      %dma_wait3A_114 = tpu.memref_squeeze %dma_wait3A_113 : memref<1x10112x128xf32, #tpu.memory_space<hbm>> -> memref<10112x128xf32, #tpu.memory_space<hbm>>
      %dma_wait3A_115 = arith.constant 0 : i32
      %dma_wait3A_116 = tpu.memref_slice %dma_wait3A_114[%add3A_91, %dma_wait3A_115] : memref<10112x128xf32, #tpu.memory_space<hbm>> -> memref<120x128xf32, #tpu.memory_space<hbm>>
      %dma_wait3A_117 = arith.constant 0 : i32
      %dma_wait3A_118 = tpu.memref_slice %arg10[%add3A_91, %dma_wait3A_117] : memref<10112x128xf32, #tpu.memory_space<vmem_shared>> -> memref<120x128xf32, #tpu.memory_space<vmem_shared>>
      tpu.wait_dma2 semaphore(%run_scoped3A_102 : memref<!tpu.dma_semaphore, #tpu.memory_space<semaphore_mem>>) src(%dma_wait3A_118 : memref<120x128xf32, #tpu.memory_space<vmem_shared>>) dst(%dma_wait3A_116 : memref<120x128xf32, #tpu.memory_space<hbm>>)
      tpu.yield
    }) : () -> ()
    %add3A_92 = arith.constant 120 : i32
    %add3A_93 = arith.addi %add3A_91, %add3A_92 : i32
    "tpu.region"() ({
      %run_scoped3A_102 = tpu.sem_alloc : memref<!tpu.dma_semaphore, #tpu.memory_space<semaphore_mem>>
      %dma_start3A_103 = arith.constant 0 : i32
      %dma_start3A_104 = arith.constant 0 : i32
      %dma_start3A_105 = tpu.memref_slice %arg5[%arg0, %dma_start3A_103, %dma_start3A_104] : memref<2x10112x128xf32, #tpu.memory_space<hbm>> -> memref<1x10112x128xf32, #tpu.memory_space<hbm>>
      %dma_start3A_106 = tpu.memref_squeeze %dma_start3A_105 : memref<1x10112x128xf32, #tpu.memory_space<hbm>> -> memref<10112x128xf32, #tpu.memory_space<hbm>>
      %dma_start3A_107 = arith.constant 0 : i32
      %dma_start3A_108 = tpu.memref_slice %dma_start3A_106[%add3A_93, %dma_start3A_107] : memref<10112x128xf32, #tpu.memory_space<hbm>> -> memref<120x128xf32, #tpu.memory_space<hbm>>
      %dma_start3A_109 = arith.constant 0 : i32
      %dma_start3A_110 = tpu.memref_slice %arg10[%add3A_93, %dma_start3A_109] : memref<10112x128xf32, #tpu.memory_space<vmem_shared>> -> memref<120x128xf32, #tpu.memory_space<vmem_shared>>
      tpu.enqueue_dma source(%dma_start3A_110 : memref<120x128xf32, #tpu.memory_space<vmem_shared>>) target(%dma_start3A_108 : memref<120x128xf32, #tpu.memory_space<hbm>>) target_semaphore(%run_scoped3A_102 : memref<!tpu.dma_semaphore, #tpu.memory_space<semaphore_mem>>)
      %dma_wait3A_111 = arith.constant 0 : i32
      %dma_wait3A_112 = arith.constant 0 : i32
      %dma_wait3A_113 = tpu.memref_slice %arg5[%arg0, %dma_wait3A_111, %dma_wait3A_112] : memref<2x10112x128xf32, #tpu.memory_space<hbm>> -> memref<1x10112x128xf32, #tpu.memory_space<hbm>>
      %dma_wait3A_114 = tpu.memref_squeeze %dma_wait3A_113 : memref<1x10112x128xf32, #tpu.memory_space<hbm>> -> memref<10112x128xf32, #tpu.memory_space<hbm>>
      %dma_wait3A_115 = arith.constant 0 : i32
      %dma_wait3A_116 = tpu.memref_slice %dma_wait3A_114[%add3A_93, %dma_wait3A_115] : memref<10112x128xf32, #tpu.memory_space<hbm>> -> memref<120x128xf32, #tpu.memory_space<hbm>>
      %dma_wait3A_117 = arith.constant 0 : i32
      %dma_wait3A_118 = tpu.memref_slice %arg10[%add3A_93, %dma_wait3A_117] : memref<10112x128xf32, #tpu.memory_space<vmem_shared>> -> memref<120x128xf32, #tpu.memory_space<vmem_shared>>
      tpu.wait_dma2 semaphore(%run_scoped3A_102 : memref<!tpu.dma_semaphore, #tpu.memory_space<semaphore_mem>>) src(%dma_wait3A_118 : memref<120x128xf32, #tpu.memory_space<vmem_shared>>) dst(%dma_wait3A_116 : memref<120x128xf32, #tpu.memory_space<hbm>>)
      tpu.yield
    }) : () -> ()
    %add3A_94 = arith.constant 120 : i32
    %add3A_95 = arith.addi %add3A_93, %add3A_94 : i32
    "tpu.region"() ({
      %run_scoped3A_102 = tpu.sem_alloc : memref<!tpu.dma_semaphore, #tpu.memory_space<semaphore_mem>>
      %dma_start3A_103 = arith.constant 0 : i32
      %dma_start3A_104 = arith.constant 0 : i32
      %dma_start3A_105 = tpu.memref_slice %arg5[%arg0, %dma_start3A_103, %dma_start3A_104] : memref<2x10112x128xf32, #tpu.memory_space<hbm>> -> memref<1x10112x128xf32, #tpu.memory_space<hbm>>
      %dma_start3A_106 = tpu.memref_squeeze %dma_start3A_105 : memref<1x10112x128xf32, #tpu.memory_space<hbm>> -> memref<10112x128xf32, #tpu.memory_space<hbm>>
      %dma_start3A_107 = arith.constant 0 : i32
      %dma_start3A_108 = tpu.memref_slice %dma_start3A_106[%add3A_95, %dma_start3A_107] : memref<10112x128xf32, #tpu.memory_space<hbm>> -> memref<120x128xf32, #tpu.memory_space<hbm>>
      %dma_start3A_109 = arith.constant 0 : i32
      %dma_start3A_110 = tpu.memref_slice %arg10[%add3A_95, %dma_start3A_109] : memref<10112x128xf32, #tpu.memory_space<vmem_shared>> -> memref<120x128xf32, #tpu.memory_space<vmem_shared>>
      tpu.enqueue_dma source(%dma_start3A_110 : memref<120x128xf32, #tpu.memory_space<vmem_shared>>) target(%dma_start3A_108 : memref<120x128xf32, #tpu.memory_space<hbm>>) target_semaphore(%run_scoped3A_102 : memref<!tpu.dma_semaphore, #tpu.memory_space<semaphore_mem>>)
      %dma_wait3A_111 = arith.constant 0 : i32
      %dma_wait3A_112 = arith.constant 0 : i32
      %dma_wait3A_113 = tpu.memref_slice %arg5[%arg0, %dma_wait3A_111, %dma_wait3A_112] : memref<2x10112x128xf32, #tpu.memory_space<hbm>> -> memref<1x10112x128xf32, #tpu.memory_space<hbm>>
      %dma_wait3A_114 = tpu.memref_squeeze %dma_wait3A_113 : memref<1x10112x128xf32, #tpu.memory_space<hbm>> -> memref<10112x128xf32, #tpu.memory_space<hbm>>
      %dma_wait3A_115 = arith.constant 0 : i32
      %dma_wait3A_116 = tpu.memref_slice %dma_wait3A_114[%add3A_95, %dma_wait3A_115] : memref<10112x128xf32, #tpu.memory_space<hbm>> -> memref<120x128xf32, #tpu.memory_space<hbm>>
      %dma_wait3A_117 = arith.constant 0 : i32
      %dma_wait3A_118 = tpu.memref_slice %arg10[%add3A_95, %dma_wait3A_117] : memref<10112x128xf32, #tpu.memory_space<vmem_shared>> -> memref<120x128xf32, #tpu.memory_space<vmem_shared>>
      tpu.wait_dma2 semaphore(%run_scoped3A_102 : memref<!tpu.dma_semaphore, #tpu.memory_space<semaphore_mem>>) src(%dma_wait3A_118 : memref<120x128xf32, #tpu.memory_space<vmem_shared>>) dst(%dma_wait3A_116 : memref<120x128xf32, #tpu.memory_space<hbm>>)
      tpu.yield
    }) : () -> ()
    %add3A_96 = arith.constant 120 : i32
    %add3A_97 = arith.addi %add3A_95, %add3A_96 : i32
    "tpu.region"() ({
      %run_scoped3A_102 = tpu.sem_alloc : memref<!tpu.dma_semaphore, #tpu.memory_space<semaphore_mem>>
      %dma_start3A_103 = arith.constant 0 : i32
      %dma_start3A_104 = arith.constant 0 : i32
      %dma_start3A_105 = tpu.memref_slice %arg5[%arg0, %dma_start3A_103, %dma_start3A_104] : memref<2x10112x128xf32, #tpu.memory_space<hbm>> -> memref<1x10112x128xf32, #tpu.memory_space<hbm>>
      %dma_start3A_106 = tpu.memref_squeeze %dma_start3A_105 : memref<1x10112x128xf32, #tpu.memory_space<hbm>> -> memref<10112x128xf32, #tpu.memory_space<hbm>>
      %dma_start3A_107 = arith.constant 0 : i32
      %dma_start3A_108 = tpu.memref_slice %dma_start3A_106[%add3A_97, %dma_start3A_107] : memref<10112x128xf32, #tpu.memory_space<hbm>> -> memref<120x128xf32, #tpu.memory_space<hbm>>
      %dma_start3A_109 = arith.constant 0 : i32
      %dma_start3A_110 = tpu.memref_slice %arg10[%add3A_97, %dma_start3A_109] : memref<10112x128xf32, #tpu.memory_space<vmem_shared>> -> memref<120x128xf32, #tpu.memory_space<vmem_shared>>
      tpu.enqueue_dma source(%dma_start3A_110 : memref<120x128xf32, #tpu.memory_space<vmem_shared>>) target(%dma_start3A_108 : memref<120x128xf32, #tpu.memory_space<hbm>>) target_semaphore(%run_scoped3A_102 : memref<!tpu.dma_semaphore, #tpu.memory_space<semaphore_mem>>)
      %dma_wait3A_111 = arith.constant 0 : i32
      %dma_wait3A_112 = arith.constant 0 : i32
      %dma_wait3A_113 = tpu.memref_slice %arg5[%arg0, %dma_wait3A_111, %dma_wait3A_112] : memref<2x10112x128xf32, #tpu.memory_space<hbm>> -> memref<1x10112x128xf32, #tpu.memory_space<hbm>>
      %dma_wait3A_114 = tpu.memref_squeeze %dma_wait3A_113 : memref<1x10112x128xf32, #tpu.memory_space<hbm>> -> memref<10112x128xf32, #tpu.memory_space<hbm>>
      %dma_wait3A_115 = arith.constant 0 : i32
      %dma_wait3A_116 = tpu.memref_slice %dma_wait3A_114[%add3A_97, %dma_wait3A_115] : memref<10112x128xf32, #tpu.memory_space<hbm>> -> memref<120x128xf32, #tpu.memory_space<hbm>>
      %dma_wait3A_117 = arith.constant 0 : i32
      %dma_wait3A_118 = tpu.memref_slice %arg10[%add3A_97, %dma_wait3A_117] : memref<10112x128xf32, #tpu.memory_space<vmem_shared>> -> memref<120x128xf32, #tpu.memory_space<vmem_shared>>
      tpu.wait_dma2 semaphore(%run_scoped3A_102 : memref<!tpu.dma_semaphore, #tpu.memory_space<semaphore_mem>>) src(%dma_wait3A_118 : memref<120x128xf32, #tpu.memory_space<vmem_shared>>) dst(%dma_wait3A_116 : memref<120x128xf32, #tpu.memory_space<hbm>>)
      tpu.yield
    }) : () -> ()
    %add3A_98 = arith.constant 120 : i32
    %add3A_99 = arith.addi %add3A_97, %add3A_98 : i32
    "tpu.region"() ({
      %run_scoped3A_102 = tpu.sem_alloc : memref<!tpu.dma_semaphore, #tpu.memory_space<semaphore_mem>>
      %dma_start3A_103 = arith.constant 0 : i32
      %dma_start3A_104 = arith.constant 0 : i32
      %dma_start3A_105 = tpu.memref_slice %arg5[%arg0, %dma_start3A_103, %dma_start3A_104] : memref<2x10112x128xf32, #tpu.memory_space<hbm>> -> memref<1x10112x128xf32, #tpu.memory_space<hbm>>
      %dma_start3A_106 = tpu.memref_squeeze %dma_start3A_105 : memref<1x10112x128xf32, #tpu.memory_space<hbm>> -> memref<10112x128xf32, #tpu.memory_space<hbm>>
      %dma_start3A_107 = arith.constant 0 : i32
      %dma_start3A_108 = tpu.memref_slice %dma_start3A_106[%add3A_99, %dma_start3A_107] : memref<10112x128xf32, #tpu.memory_space<hbm>> -> memref<32x128xf32, #tpu.memory_space<hbm>>
      %dma_start3A_109 = arith.constant 0 : i32
      %dma_start3A_110 = tpu.memref_slice %arg10[%add3A_99, %dma_start3A_109] : memref<10112x128xf32, #tpu.memory_space<vmem_shared>> -> memref<32x128xf32, #tpu.memory_space<vmem_shared>>
      tpu.enqueue_dma source(%dma_start3A_110 : memref<32x128xf32, #tpu.memory_space<vmem_shared>>) target(%dma_start3A_108 : memref<32x128xf32, #tpu.memory_space<hbm>>) target_semaphore(%run_scoped3A_102 : memref<!tpu.dma_semaphore, #tpu.memory_space<semaphore_mem>>)
      %dma_wait3A_111 = arith.constant 0 : i32
      %dma_wait3A_112 = arith.constant 0 : i32
      %dma_wait3A_113 = tpu.memref_slice %arg5[%arg0, %dma_wait3A_111, %dma_wait3A_112] : memref<2x10112x128xf32, #tpu.memory_space<hbm>> -> memref<1x10112x128xf32, #tpu.memory_space<hbm>>
      %dma_wait3A_114 = tpu.memref_squeeze %dma_wait3A_113 : memref<1x10112x128xf32, #tpu.memory_space<hbm>> -> memref<10112x128xf32, #tpu.memory_space<hbm>>
      %dma_wait3A_115 = arith.constant 0 : i32
      %dma_wait3A_116 = tpu.memref_slice %dma_wait3A_114[%add3A_99, %dma_wait3A_115] : memref<10112x128xf32, #tpu.memory_space<hbm>> -> memref<32x128xf32, #tpu.memory_space<hbm>>
      %dma_wait3A_117 = arith.constant 0 : i32
      %dma_wait3A_118 = tpu.memref_slice %arg10[%add3A_99, %dma_wait3A_117] : memref<10112x128xf32, #tpu.memory_space<vmem_shared>> -> memref<32x128xf32, #tpu.memory_space<vmem_shared>>
      tpu.wait_dma2 semaphore(%run_scoped3A_102 : memref<!tpu.dma_semaphore, #tpu.memory_space<semaphore_mem>>) src(%dma_wait3A_118 : memref<32x128xf32, #tpu.memory_space<vmem_shared>>) dst(%dma_wait3A_116 : memref<32x128xf32, #tpu.memory_space<hbm>>)
      tpu.yield
    }) : () -> ()
    %add3A_100 = arith.constant 32 : i32
    %add3A_101 = arith.addi %add3A_99, %add3A_100 : i32
    "tpu.trace_stop"() : () -> ()
    return
  }
}

module attributes {stable_mosaic.version = 14 : i64} {
  func.func @_xpw_body(%arg0: i32, %arg1: memref<1024x128xf32, #tpu.memory_space<vmem>>, %arg2: memref<1024xf32, #tpu.memory_space<vmem>>, %arg3: memref<128x128xf32, #tpu.memory_space<vmem>>, %arg4: memref<1024x128xf32, #tpu.memory_space<vmem>>) attributes {dimension_semantics = [#tpu.dimension_semantics<arbitrary>], iteration_bounds = array<i64: 10>, scalar_prefetch = 0 : i64, scratch_operands = 0 : i64, tpu.core_type = #tpu.core_type<tc>, window_params = [{transform_indices = @transform_0, window_bounds = array<i64: 1024, 128>}, {transform_indices = @transform_1, window_bounds = array<i64: 1024>}, {pipeline_mode = #tpu.pipeline_mode<synchronous>, transform_indices = @transform_2, window_bounds = array<i64: 128, 128>}, {transform_indices = @transform_3, window_bounds = array<i64: 1024, 128>}]} {
    %get3A = arith.constant 0 : index
    %get3A_0 = arith.constant 0 : index
    %get3A_1 = vector.load %arg1[%get3A, %get3A_0] : memref<1024x128xf32, #tpu.memory_space<vmem>>, vector<1024x128xf32>
    %get3A_2 = arith.constant 0 : index
    %get3A_3 = vector.load %arg2[%get3A_2] : memref<1024xf32, #tpu.memory_space<vmem>>, vector<1024xf32>
    %broadcast_in_dim3A = vector.shape_cast %get3A_3 : vector<1024xf32> to vector<1024x1xf32>
    %mul3A = vector.broadcast %broadcast_in_dim3A : vector<1024x1xf32> to vector<1024x128xf32>
    %mul3A_4 = arith.mulf %get3A_1, %mul3A : vector<1024x128xf32>
    %get3A_5 = arith.constant 0 : index
    %get3A_6 = arith.constant 0 : index
    %get3A_7 = vector.load %arg3[%get3A_5, %get3A_6] : memref<128x128xf32, #tpu.memory_space<vmem>>, vector<128x128xf32>
    %dot_general3A = arith.constant dense<0.000000e+00> : vector<1024x128xf32>
    %dot_general3A_8 = tpu.matmul %mul3A_4, %get3A_7, %dot_general3A {dimension_numbers = #tpu.dot_dimension_numbers<[1], [0], [0], [1], [0, 0, 1, 1], [], []>, transpose_lhs_hint = false} : vector<1024x128xf32>, vector<128x128xf32>, vector<1024x128xf32> -> vector<1024x128xf32>
    %swap3A = arith.constant 0 : index
    %swap3A_9 = arith.constant 0 : index
    %swap3A_10 = vector.load %arg4[%swap3A, %swap3A_9] : memref<1024x128xf32, #tpu.memory_space<vmem>>, vector<1024x128xf32>
    tpu.vector_store %arg4[%swap3A, %swap3A_9], %dot_general3A_8 {strides = array<i32>} : memref<1024x128xf32, #tpu.memory_space<vmem>>, vector<1024x128xf32>,
    return
  }
  func.func @transform_0(%arg0: i32) -> (i32, i32) {
    %c0_i32 = arith.constant 0 : i32
    %c0_i32_0 = arith.constant 0 : i32
    return %arg0, %c0_i32 : i32, i32
  }
  func.func @transform_1(%arg0: i32) -> i32 {
    %c0_i32 = arith.constant 0 : i32
    return %arg0 : i32
  }
  func.func @transform_2(%arg0: i32) -> (i32, i32) {
    %c0_i32 = arith.constant 0 : i32
    %c0_i32_0 = arith.constant 0 : i32
    %c0_i32_1 = arith.constant 0 : i32
    return %c0_i32, %c0_i32_0 : i32, i32
  }
  func.func @transform_3(%arg0: i32) -> (i32, i32) {
    %c0_i32 = arith.constant 0 : i32
    %c0_i32_0 = arith.constant 0 : i32
    return %arg0, %c0_i32 : i32, i32
  }
}

module attributes {stable_mosaic.version = 14 : i64} {
  func.func @_fin_body(%arg0: i32, %arg1: memref<1x1000x128xf32, #tpu.memory_space<vmem>>, %arg2: memref<1x1000x128xf32, #tpu.memory_space<vmem>>, %arg3: memref<1x128xf32, #tpu.memory_space<vmem>>, %arg4: memref<1000x128xf32, #tpu.memory_space<vmem>>) attributes {dimension_semantics = [#tpu.dimension_semantics<arbitrary>], iteration_bounds = array<i64: 10>, scalar_prefetch = 0 : i64, scratch_operands = 0 : i64, tpu.core_type = #tpu.core_type<tc>, window_params = [{transform_indices = @transform_0, window_bounds = array<i64: 1, 1000, 128>}, {transform_indices = @transform_1, window_bounds = array<i64: 1, 1000, 128>}, {pipeline_mode = #tpu.pipeline_mode<synchronous>, transform_indices = @transform_2, window_bounds = array<i64: 1, 128>}, {transform_indices = @transform_3, window_bounds = array<i64: 1000, 128>}]} {
    %get3A = arith.constant 0 : index
    %get3A_0 = arith.constant 0 : index
    %get3A_1 = arith.constant 0 : index
    %get3A_2 = vector.load %arg1[%get3A, %get3A_0, %get3A_1] : memref<1x1000x128xf32, #tpu.memory_space<vmem>>, vector<1x1000x128xf32>
    %get3A_3 = vector.shape_cast %get3A_2 : vector<1x1000x128xf32> to vector<1000x128xf32>
    %get3A_4 = arith.constant 0 : index
    %get3A_5 = arith.constant 0 : index
    %get3A_6 = arith.constant 0 : index
    %get3A_7 = vector.load %arg2[%get3A_4, %get3A_5, %get3A_6] : memref<1x1000x128xf32, #tpu.memory_space<vmem>>, vector<1x1000x128xf32>
    %get3A_8 = vector.shape_cast %get3A_7 : vector<1x1000x128xf32> to vector<1000x128xf32>
    %add3A = arith.addf %get3A_3, %get3A_8 : vector<1000x128xf32>
    %get3A_9 = arith.constant 0 : index
    %get3A_10 = arith.constant 0 : index
    %get3A_11 = vector.load %arg3[%get3A_9, %get3A_10] : memref<1x128xf32, #tpu.memory_space<vmem>>, vector<1x128xf32>
    %add3A_12 = vector.broadcast %get3A_11 : vector<1x128xf32> to vector<1000x128xf32>
    %add3A_13 = arith.addf %add3A, %add3A_12 : vector<1000x128xf32>
    %swap3A = arith.constant 0 : index
    %swap3A_14 = arith.constant 0 : index
    %swap3A_15 = vector.load %arg4[%swap3A, %swap3A_14] : memref<1000x128xf32, #tpu.memory_space<vmem>>, vector<1000x128xf32>
    tpu.vector_store %arg4[%swap3A, %swap3A_14], %add3A_13 {strides = array<i32>} : memref<1000x128xf32, #tpu.memory_space<vmem>>, vector<1000x128xf32>,
    return
  }
  func.func @transform_0(%arg0: i32) -> (i32, i32, i32) {
    %c0_i32 = arith.constant 0 : i32
    %c0_i32_0 = arith.constant 0 : i32
    %c0_i32_1 = arith.constant 0 : i32
    return %c0_i32, %arg0, %c0_i32_0 : i32, i32, i32
  }
  func.func @transform_1(%arg0: i32) -> (i32, i32, i32) {
    %c1_i32 = arith.constant 1 : i32
    %c0_i32 = arith.constant 0 : i32
    %c0_i32_0 = arith.constant 0 : i32
    return %c1_i32, %arg0, %c0_i32 : i32, i32, i32
  }
  func.func @transform_2(%arg0: i32) -> (i32, i32) {
    %c0_i32 = arith.constant 0 : i32
    %c0_i32_0 = arith.constant 0 : i32
    %c0_i32_1 = arith.constant 0 : i32
    return %c0_i32, %c0_i32_0 : i32, i32
  }
  func.func @transform_3(%arg0: i32) -> (i32, i32) {
    %c0_i32 = arith.constant 0 : i32
    %c0_i32_0 = arith.constant 0 : i32
    return %arg0, %c0_i32 : i32, i32
  }
}

</mosaic_0001>

<sc_bundles>
// kernel: kernel.5.cloned.1.call-start
scs
__scs_entry_jumppad:
0x0: {  	(pc) =	sbr.rel $0x88, $3  }
0x1: {  	(tag) =	ssettag $0x0;
	lr =	simm.s32 $0x1  }
0x2: {  	[smem:$0x3F9C] =	sst lr;
	_ =	strace $0xD0000000  }
0x3: {  	_ = 	snop  }
0x4: {  	_ = 	snop  }
0x5: {  	_ = 	snop  }
0x6: {  	_ = 	snop  }
0x7: {  	_ = 	snop  }
__scs_overlays_trampoline_lowered:
0x8: {  	[smem:$0x3FAB] =	sst s0  }
0x9: {  	[smem:$0x3FAC] =	sst s1  }
0xa: {  	[smem:$0x3FAD] =	sst s2  }
0xb: {  	[smem:$0x3FAE] =	sst s3  }
0xc: {  	[smem:$0x3FAF] =	sst s4  }
0xd: {  	[smem:$0x3FB0] =	sst s5  }
0xe: {  	[smem:$0x3FB1] =	sst s6  }
0xf: {  	[smem:$0x3FB2] =	sst s7  }
0x10: {  	[smem:$0x3FB3] =	sst s8  }
0x11: {  	[smem:$0x3FB4] =	sst s9;
	s0 =	simm.s32 @!p0 $0x0  }
0x12: {  	s1 =	sld [smem:$0x3F9A];
	s0 =	simm.s32 @p0 $0x1  }
0x13: {  	[smem:$0x3FB5] =	sst s0;
	s0 =	simm.s32 @!p1 $0x0  }
0x14: {  	s2 =	sld [smem:$0x3F99];
	s0 =	simm.s32 @p1 $0x1  }
0x15: {  	[smem:$0x3FB6] =	sst s0;
	s0 =	simm.s32 @!p2 $0x0  }
0x16: {  	s3 =	sld [smem:$0x3FDB];
	s0 =	simm.s32 @p2 $0x1  }
0x17: {  	s4 =	simm.s32 $0x1BF5;
	[smem:$0x3FB8] =	sst s0  }
0x18: {  	s0 =	sld [smem:$0x3F9B];
	_ =	swait.ge [sflag:s4], $0x0  }
0x19: {  	s7 =	sld [smem:$0x3F9C]  }
0x1a: {  	s8 =	sadd.s32 $0xFFFFE003, lr  }
0x1b: {  	s9 =	sadd.s32 $0xFFFFFEF7, lr;
	s5 =	simm.s32 $0xFFFFFFFF;
	p2 =	slt.u32 s8, $0xFFFFF086  }
0x1c: {  	p1 =	slt.u32 s9, $0xF7A;
	s5 =	simm.s32 @!p2 $0x0  }
0x1d: {  	s5 =	simm.s32 @p1 $0x1;
	p0 =	seq.s32 s7, s2  }
0x1e: {  	s7 =	smul.u32 @!p0 $0xF7A, s2;
	p2 =	seq.s32 @!p0 s5, $0x0  }
0x1f: {  	s9 =	smul.u32 $0xF7A, s1;
	s8 =	simm.s32 @!p0 $0x1BF5;
	p2 =	por !p2, p0  }
0x20: {  	[sflag:s8] =	ssyncset.s32 @!p0 $0xFFFFF086;
	s6 =	sadd.s32 @!p0 s3, s7;
	s7 =	simm.s32 @!p0 $0x108  }
0x21: {  	s3 =	sadd.s32 s3, s9;
	s6 =	sadd.s32 @!p0 $0x88, s6;
	s7 =	simm.s32 @p2 $0x1082  }
0x22: {  	[simem:s7], [sflag:s8] =	dma.local @!p0 [hbm:s6], $0xF7A  }
0x23: {  	s9 =	sor.u32 $0xD0000000, s2;
	s6 =	simm.s32 $0x108;
	_ =	swait.ge @!p0 [sflag:s8], $0x0  }
0x24: {  	s3 =	sadd.s32 $0x88, s3;
	s6 =	simm.s32 @!p1 $0x1082;
	[sflag:s4] =	ssyncset.s32 $0xFFFFF086  }
0x25: {  	[simem:s6], [sflag:s4] =	dma.local [hbm:s3], $0xF7A  }
0x26: {  	[smem:$0x3F9C] =	sst s1;
	(tag) =	ssettag s2;
	_ =	strace s9  }
0x27: {  	s1 =	sld [smem:$0x3FAC]  }
0x28: {  	s2 =	sld [smem:$0x3FAD]  }
0x29: {  	s4 =	sld [smem:$0x3FAF]  }
0x2a: {  	p0 =	seq.s32 s5, $0x0;
	s5 =	sld [smem:$0x3FB0]  }
0x2b: {  	s6 =	sld [smem:$0x3FB1]  }
0x2c: {  	s7 =	sld [smem:$0x3FB2]  }
0x2d: {  	s3 =	simm.s32 $0x108;
	s8 =	sld [smem:$0x3FB3]  }
0x2e: {  	s3 =	simm.s32 @!p0 $0x1082;
	s9 =	sld [smem:$0x3FB4]  }
0x2f: {  	lr =	sadd.s32 s0, s3;
	s0 =	sld [smem:$0x3FAB]  }
0x30: {  	s3 =	sld [smem:$0x3FAE]  }
0x31: {  	[smem:$0x3FB7] =	sst s10  }
0x32: {  	s10 =	sld [smem:$0x3FB5];
	_ =	sdelay $0x3  }
0x33: {  	p0 =	seq.s32 s10, $0x1;
	s10 =	sld [smem:$0x3FB7];
	_ =	sdelay $0x3  }
0x34: {  	[smem:$0x3FB7] =	sst s10  }
0x35: {  	s10 =	sld [smem:$0x3FB6];
	_ =	sdelay $0x3  }
0x36: {  	p1 =	seq.s32 s10, $0x1;
	s10 =	sld [smem:$0x3FB7];
	_ =	sdelay $0x3  }
0x37: {  	[smem:$0x3FB7] =	sst s10  }
0x38: {  	s10 =	sld [smem:$0x3FB8]  }
0x39: {  	_ = 	snop;
	(pc) =	sbr.ind lr, $3  }
0x3a: {  	_ = 	snop  }
0x3b: {  	_ = 	snop  }
0x3c: {  	p2 =	seq.s32 s10, $0x1;
	s10 =	sld [smem:$0x3FB7]  }
0x3d: {  	_ =	shalt  }
0x3e: {  	_ =	shalt  }
0x3f: {  	_ =	shalt  }
0x40: {  	_ =	shalt  }
0x41: {  	_ =	shalt  }
0x42: {  	_ =	shalt  }
0x43: {  	_ =	shalt  }
0x44: {  	_ =	shalt  }
0x45: {  	_ =	shalt  }
0x46: {  	_ =	shalt  }
0x47: {  	_ =	shalt  }
0x48: {  	_ =	shalt  }
0x49: {  	_ =	shalt  }
0x4a: {  	_ =	shalt  }
0x4b: {  	_ =	shalt  }
0x4c: {  	_ =	shalt  }
0x4d: {  	_ =	shalt  }
0x4e: {  	_ =	shalt  }
0x4f: {  	_ =	shalt  }
0x50: {  	_ =	shalt  }
0x51: {  	_ =	shalt  }
0x52: {  	_ =	shalt  }
0x53: {  	_ =	shalt  }
0x54: {  	_ =	shalt  }
0x55: {  	_ =	shalt  }
0x56: {  	_ =	shalt  }
0x57: {  	_ =	shalt  }
0x58: {  	_ =	shalt  }
0x59: {  	_ =	shalt  }
0x5a: {  	_ =	shalt  }
0x5b: {  	_ =	shalt  }
0x5c: {  	_ =	shalt  }
0x5d: {  	_ =	shalt  }
0x5e: {  	_ =	shalt  }
0x5f: {  	_ =	shalt  }
0x60: {  	_ =	shalt  }
0x61: {  	_ =	shalt  }
0x62: {  	_ =	shalt  }
0x63: {  	_ =	shalt  }
0x64: {  	_ =	shalt  }
0x65: {  	_ =	shalt  }
0x66: {  	_ =	shalt  }
0x67: {  	_ =	shalt  }
0x68: {  	_ =	shalt  }
0x69: {  	_ =	shalt  }
0x6a: {  	_ =	shalt  }
0x6b: {  	_ =	shalt  }
0x6c: {  	_ =	shalt  }
0x6d: {  	_ =	shalt  }
0x6e: {  	_ =	shalt  }
0x6f: {  	_ =	shalt  }
0x70: {  	_ =	shalt  }
0x71: {  	_ =	shalt  }
0x72: {  	_ =	shalt  }
0x73: {  	_ =	shalt  }
0x74: {  	_ =	shalt  }
0x75: {  	_ =	shalt  }
0x76: {  	_ =	shalt  }
0x77: {  	_ =	shalt  }
0x78: {  	_ =	shalt  }
0x79: {  	_ =	shalt  }
0x7a: {  	_ =	shalt  }
0x7b: {  	_ =	shalt  }
0x7c: {  	_ =	shalt  }
0x7d: {  	_ =	shalt  }
0x7e: {  	_ =	shalt  }
0x7f: {  	_ =	shalt  }
0x80: {  	_ =	shalt  }
0x81: {  	_ =	shalt  }
0x82: {  	_ =	shalt  }
0x83: {  	_ =	shalt  }
0x84: {  	_ =	shalt  }
0x85: {  	_ =	shalt  }
0x86: {  	_ =	shalt  }
0x87: {  	_ =	shalt  }
.Lfunc_end0:
.L_simem_size_0:
called_computation_lowered:
.L_overlay_start_0:
0x88: {  	s2 =	sld [smem:$0x3FD9]  }
0x89: {  	s3 =	sld [smem:$0x3FFE];
	_ =	sdelay $0x1  }
0x8a: {  	s1 =	srdreg.scid  }
0x8b: {  	s0 =	sand.u32 $0x1, s1  }
0x8c: {  	s17 =	sshll.u32 s0, $0xA;
	s2 =	sadd.s32 s3, s2  }
0x8d: {  	s2 =	sadd.s32 s2, s17  }
0x8e: {  	[smem:$0x3FC3] =	sst s2  }
0x8f: {  	_ = 	snop  }
0x90: {  	s2 =	sld [smem:$0x3FD0];
	(tm) =	ssettm $0x1  }
0x91: {  	s18 =	sld [smem:$0x3FFB];
	_ =	sdelay $0x3  }
0x92: {  	_ =	strace s18  }
0x93: {  	s3 =	sld [smem:$0x3FFC];
	_ =	sdelay $0x3  }
0x94: {  	_ =	strace s3  }
0x95: {  	s3 =	sld [smem:$0x3FFD];
	_ =	sdelay $0x3  }
0x96: {  	_ =	strace s3  }
0x97: {  	_ =	strace $0x8FFFFFFF  }
0x98: {  	s19 =	sld [smem:$0x3FDB];
	_ =	sdelay $0x1  }
0x99: {  	s4 =	simm.s32 $_scs_section_size  }
0x9a: {  	s5 =	simm.s32 $_size__tile_overlayer_lowered;
	s6 =	simm.s32 $_tile_overlayer_lowered  }
0x9b: {  	s22 =	simm.s32 $0x1BFF;
	s21 =	sshll.u32 s6, $0x1;
	s3 =	sadd.s32 s4, s19  }
0x9c: {  	s7 =	simm.s32 $0x0;
	s20 =	sshll.u32 s5, $0x1;
	s5 =	sadd.s32 s21, s3  }
0x9d: {  	[timem:s7], [sflag:s22] =	dma.local [hbm:s5], s20  }
0x9e: {  	_ =	swait.ge [sflag:s22], s20  }
0x9f: {  	s4 =	ssub.s32 $0x0, s20;
	[sflag:s22] =	ssyncset.done $0x0  }
0xa0: {  	[sflag:s22] =	ssyncadd.s32 s4;
	_ =	sdelay $0x1  }
0xa1: {  	s23 =	simm.s32 $0x1B8B  }
0xa2: {  	_ =	swait.ge [sflag:s23], $0x1  }
0xa3: {  	[sflag:s23] =	ssyncset.done $0x0  }
0xa4: {  	s25 =	simm.s32 $0x1B8E;
	s24 =	sld [smem:$0x3FFE];
	[sflag:s23] =	ssyncadd.s32 $0xFFFFFFFF  }
0xa5: {  	s26 =	simm.s32 $execute0_lowered;
	[smem:$0x3FD2] =	sst s25  }
0xa6: {  	s5 =	sshll.u32 s26, $0x1;
	_ =	strace $0x80000046;
	[dreg:$0x1] =	wrdreg $0xFFFFFFFF  }
0xa7: {  	s28 =	simm.s32 $_size_execute0_lowered;
	s3 =	sadd.s32 s3, s5;
	[dreg:$0x0] =	wrdreg $0x0  }
0xa8: {  	s5 =	sshll.u32 s28, $0x1;
	[dreg:$0x2] =	wrdreg s3  }
0xa9: {  	[dreg:$0x3] =	wrdreg s5  }
0xaa: {  	[dreg:$0x4] =	wrdreg $0xC0  }
0xab: {  	_ =	task [dreg:s7], $0x5FFFF  }
0xac: {  	[dreg:$0x1] =	wrdreg $0xFFFFFFFF  }
0xad: {  	[dreg:$0x0] =	wrdreg $0x60  }
0xae: {  	[dreg:$0x2] =	wrdreg s2  }
0xaf: {  	[dreg:$0x3] =	wrdreg s24  }
0xb0: {  	[dreg:$0x4] =	wrdreg $0xA8000  }
0xb1: {  	[dreg:$0x5] =	wrdreg $0x9  }
0xb2: {  	_ =	task.clear_ibuf [dreg:s7], $0x6FFFF;
	_ =	strace $0x90000046  }
0xb3: {  	s29 =	simm.s32 $0x9;
	_ =	strace $0x8000004B  }
0xb4: {  	_ =	swait.ge [sflag:s29], $0x1  }
0xb5: {  	[sflag:s29] =	ssyncadd.s32 $0xFFFFFFFF  }
0xb6: {  	_ =	strace $0x9000004B  }
0xb7: {  	_ =	sfence  }
0xb8: {  	s30 =	sld [smem:$0x0];
	_ =	sdelay $0x2  }
0xb9: {  	s31 =	sshll.u32 s1, $0xD;
	s1 =	sshrl.u32 s1, $0x2  }
0xba: {  	s3 =	sand.u32 $0x4000, s31;
	s1 =	sadd.s32 s1, s30  }
0xbb: {  	s0 =	sor.u32 s3, s0;
	s1 =	sshll.u32 s1, $0x11  }
0xbc: {  	s0 =	sor.u32 s1, s0  }
0xbd: {  	s0 =	sadd.s32 $0x8F2B, s0  }
0xbe: {  	[sflag:s0] =	ssyncadd.remote.s32 $0x1  }
0xbf: {  	_ =	sfence.sel $0xFFFF  }
0xc0: {  	[dreg:$0x0] =	wrdreg $0xFFFFFFFF;
	(pc) =	sbr.abs _section_cstart, $3  }
0xc1: {  	[dreg:$0x1] =	wrdreg $0xFFFFFFFF  }
0xc2: {  	_ =	task.clear_ibuf [dreg:s7], $0x2FFFF;
	_ =	strace $0x9FFFFFFF  }
0xc3: {  	(tm) =	ssettm $0x7FFFFFFF  }
tec
execute0_lowered:
.L_overlay_start_1:
0x0: {  	(tag) =	ssettag $0x1  }
0x1: {  	s1 =	rddreg [dreg:$0x0]  }
0x2: {  	s0 =	srdreg.scid;
	s2 =	rddreg [dreg:$0x1]  }
0x3: {  	s19 =	stileid.u32;
	s3 =	rddreg [dreg:$0x2];
	s28 =	simm.s32 $0x1  }
0x4: {  	s29 =	simm.s32 $0x2;
	s30 =	simm.s32 $0x2700;
	s9 =	smul.u32 $0x278, s19  }
0x5: {  	s31 =	simm.s32 $0x2780;
	s0 =	sand.u32 $0x1, s0;
	s8 =	smul.u32 $0x4F000, s19  }
0x6: {  	s4 =	sshll.u32 s19, $0x1;
	s10 =	sadd.s32 $0x15000, s2;
	s19 =	smul.u32 $0x2780, s19  }
0x7: {  	s5 =	sor.u32 s0, s4;
	s4 =	simm.s32 $0x0;
	s6 =	smul.u32 $0x27800, s0  }
0x8: {  	s0 =	ssub.s32 $0x2, s0;
	s5 =	smul.u32 $0x500, s5;
	[smem:$0x7FF] =	sst s4  }
0x9: {  	s7 =	sshrl.u32 s0, $0x1;
	s22 =	sshrl.u32 s8, $0x2;
	s14 =	sadd.s32 $0x78, s9  }
0xa: {  	s15 =	sadd.s32 $0xF0, s9;
	s16 =	sadd.s32 $0x168, s9;
	s17 =	sadd.s32 $0x1E0, s9  }
0xb: {  	s18 =	sadd.s32 $0x258, s9;
	_ =	strace $0x80000047;
	[dreg:$0x4] =	wrdreg s10  }
0xc: {  	s13 =	sadd.s32 s6, s2;
	s0 =	ssub.s32 s0, s7;
	s6 =	sadd.s32 s22, s3  }
0xd: {  	s23 =	sshll.u32 s14, $0x7;
	s24 =	sshll.u32 s15, $0x7;
	s25 =	sshll.u32 s16, $0x7  }
0xe: {  	s26 =	sshll.u32 s17, $0x7;
	s11 =	sshll.u32 s18, $0x7;
	s20 =	sshll.u32 s14, $0x4  }
0xf: {  	s21 =	sshll.u32 s15, $0x4;
	s22 =	sshll.u32 s16, $0x4;
	s14 =	simm.s32 $0x2800  }
0x10: {  	s15 =	simm.s32 $0x3;
	s12 =	sadd.s32 s5, s2;
	s7 =	sadd.s32 s23, s3  }
0x11: {  	s8 =	sadd.s32 s24, s3;
	s9 =	sadd.s32 s25, s3;
	s10 =	sadd.s32 s26, s3  }
0x12: {  	s11 =	sadd.s32 s11, s3;
	s2 =	sadd.s32 $0xB000, s2;
	s24 =	sadd.s32 $0x15800, s13  }
0x13: {  	s23 =	sshll.u32 s17, $0x4;
	s25 =	sshll.u32 s18, $0x4;
	s13 =	smax.u32 s0, $0x1  }
0x14: {  	s18 =	simm.s32 $0x7D;
	s26 =	simm.s32 $0x6800;
	s12 =	sadd.s32 $0x1000, s12  }
0x15: {  	s16 =	sadd.s32 s5, s2;
	s19 =	sadd.s32 s19, s24;
	s20 =	sadd.s32 s20, s24  }
0x16: {  	s21 =	sadd.s32 s21, s24;
	s22 =	sadd.s32 s22, s24;
	s23 =	sadd.s32 s23, s24  }
0x17: {  	s24 =	sadd.s32 s25, s24;
	s25 =	simm.s32 $0x80;
	s2 =	simm.s32 $0x0  }
.LBB2_1:
0x18: {  	_ =	strace $0x80000048  }
0x19: {  	s0 =	rddreg [dreg:$0x4]  }
0x1a: {  	[tilespmem:s14], [sflag:$0x3] =	stream.linear.gather [hbm4b:s0+s4], $0x3C00, $0x200038;
	[tilespmem:$0x1E400] =	vst v63  }
0x1b: {  	_ =	swait.ge [sflag:s15], $0x3C00  }
0x1c: {  	[sflag:s15] =	ssyncset.done $0x0  }
0x1d: {  	[sflag:s15] =	ssyncadd.s32 $0xFFFFC400  }
0x1e: {  	[spmem:s6] =	stream.linear.scatter [tilespmem:s14], [sflag:$0x3], $0x3C00, $0x200038;
	[tilespmem:$0x1E400] =	vst v63  }
0x1f: {  	_ =	swait.ge [sflag:s15], $0x3C00  }
0x20: {  	[sflag:s15] =	ssyncset.done $0x0  }
0x21: {  	[sflag:s15] =	ssyncadd.s32 $0xFFFFC400  }
0x22: {  	[spmem:s7] =	stream.linear.scatter [tilespmem:s14], [sflag:$0x3], $0x3C00, $0x200038;
	[tilespmem:$0x1E400] =	vst v63  }
0x23: {  	_ =	swait.ge [sflag:s15], $0x3C00  }
0x24: {  	[sflag:s15] =	ssyncset.done $0x0  }
0x25: {  	[sflag:s15] =	ssyncadd.s32 $0xFFFFC400  }
0x26: {  	[spmem:s8] =	stream.linear.scatter [tilespmem:s14], [sflag:$0x3], $0x3C00, $0x200038;
	[tilespmem:$0x1E400] =	vst v63  }
0x27: {  	_ =	swait.ge [sflag:s15], $0x3C00  }
0x28: {  	[sflag:s15] =	ssyncset.done $0x0  }
0x29: {  	[sflag:s15] =	ssyncadd.s32 $0xFFFFC400  }
0x2a: {  	[spmem:s9] =	stream.linear.scatter [tilespmem:s14], [sflag:$0x3], $0x3C00, $0x200038;
	[tilespmem:$0x1E400] =	vst v63  }
0x2b: {  	_ =	swait.ge [sflag:s15], $0x3C00  }
0x2c: {  	[sflag:s15] =	ssyncset.done $0x0  }
0x2d: {  	[sflag:s15] =	ssyncadd.s32 $0xFFFFC400  }
0x2e: {  	[spmem:s10] =	stream.linear.scatter [tilespmem:s14], [sflag:$0x3], $0x3C00, $0x200038;
	[tilespmem:$0x1E400] =	vst v63  }
0x2f: {  	_ =	swait.ge [sflag:s15], $0x3C00  }
0x30: {  	[sflag:s15] =	ssyncset.done $0x0  }
0x31: {  	[sflag:s15] =	ssyncadd.s32 $0xFFFFC400  }
0x32: {  	[spmem:s11] =	stream.linear.scatter [tilespmem:s14], [sflag:$0x3], $0x1000, $0x200038;
	[tilespmem:$0x1E400] =	vst v63  }
0x33: {  	_ =	swait.ge [sflag:s15], $0x1000  }
0x34: {  	[sflag:s15] =	ssyncset.done $0x0  }
0x35: {  	[sflag:s15] =	ssyncadd.s32 $0xFFFFF000  }
0x36: {  	_ =	strace $0x90000048  }
0x37: {  	[bflag:$0x0] =	sbarrier.arrive $0xFFFF  }
0x38: {  	_ =	strace $0x80000049  }
0x39: {  	[tilespmem:s4], [sflag:$0x3] =	stream.linear.gather [hbm4b:s12+s4], $0x1400, $0x200038;
	[tilespmem:$0x1E400] =	vst v63  }
0x3a: {  	_ =	swait.ge [sflag:s15], $0x1400  }
0x3b: {  	[sflag:s15] =	ssyncset.done $0x0  }
0x3c: {  	s5 =	simm.s32 $0x1400;
	[sflag:s15] =	ssyncadd.s32 $0xFFFFEC00  }
0x3d: {  	[tilespmem:s5], [sflag:$0x3] =	stream.linear.gather [hbm4b:s16+s4], $0x1400, $0x200038;
	[tilespmem:$0x1E400] =	vst v63  }
0x3e: {  	_ =	swait.ge [sflag:s15], $0x1400  }
0x3f: {  	[sflag:s15] =	ssyncset.done $0x0  }
0x40: {  	[sflag:s15] =	ssyncadd.s32 $0xFFFFEC00  }
0x41: {  	[tilespmem:s14], [sflag:$0x1] =	stream.indirect.gather [hbm4b:s1+s18], $0x80, s4, s18, $0x2000b8;
	[tilespmem:$0x1E400] =	vst v63  }
0x42: {  	_ = 	snop  }
0x43: {  	[tilespmem:s26], [sflag:$0x2] =	stream.indirect.gather [hbm4b:s1+s18], $0x80, s25, s18, $0x2000b8;
	[tilespmem:$0x1E400] =	vst v63  }
0x44: {  	_ =	swait.ge [sflag:s28], $0x3E80  }
0x45: {  	[sflag:s28] =	ssyncset.done $0x0  }
0x46: {  	s17 =	simm.s32 $0x1400;
	[sflag:s28] =	ssyncadd.s32 $0xFFFFC180  }
0x47: {  	[spmem:s3] =	stream.indirect.scatter.add.f32 [tilespmem:s14], [sflag:$0x3], $0x80, s17, s18, $0x2000b8;
	[tilespmem:$0x1E400] =	vst v63  }
0x48: {  	_ =	swait.ge [sflag:s15], $0x3E80  }
0x49: {  	[sflag:s15] =	ssyncset.done $0x0  }
0x4a: {  	s5 =	simm.s32 $0x100;
	[sflag:s15] =	ssyncadd.s32 $0xFFFFC180  }
0x4b: {  	[tilespmem:s14], [sflag:$0x1] =	stream.indirect.gather [hbm4b:s1+s18], $0x80, s5, s18, $0x2000b8;
	[tilespmem:$0x1E400] =	vst v63  }
0x4c: {  	_ =	swait.ge [sflag:s29], $0x3E80  }
0x4d: {  	[sflag:s29] =	ssyncset.done $0x0  }
0x4e: {  	s17 =	simm.s32 $0x1480;
	[sflag:s29] =	ssyncadd.s32 $0xFFFFC180  }
0x4f: {  	[spmem:s3] =	stream.indirect.scatter.add.f32 [tilespmem:s26], [sflag:$0x3], $0x80, s17, s18, $0x2000b8;
	[tilespmem:$0x1E400] =	vst v63  }
0x50: {  	_ =	swait.ge [sflag:s15], $0x3E80  }
0x51: {  	[sflag:s15] =	ssyncset.done $0x0  }
0x52: {  	s0 =	simm.s32 $0x400;
	s5 =	simm.s32 $0x180;
	[sflag:s15] =	ssyncadd.s32 $0xFFFFC180  }
.LBB2_2:
0x53: {  	[tilespmem:s26], [sflag:$0x2] =	stream.indirect.gather [hbm4b:s1+s18], $0x80, s5, s18, $0x2000b8;
	[tilespmem:$0x1E400] =	vst v63  }
0x54: {  	s5 =	smov.u32 s0  }
0x55: {  	p0 =	sne.s32 s0, $0x4800;
	s0 =	sadd.s32 $0x400, s0;
	_ =	swait.ge [sflag:s28], $0x3E80  }
0x56: {  	s5 =	sshra.s32 s5, $0x2;
	[sflag:s28] =	ssyncset.done $0x0  }
0x57: {  	s17 =	sadd.s32 $0x1400, s5;
	[sflag:s28] =	ssyncadd.s32 $0xFFFFC180  }
0x58: {  	[spmem:s3] =	stream.indirect.scatter.add.f32 [tilespmem:s14], [sflag:$0x3], $0x80, s17, s18, $0x2000b8;
	[tilespmem:$0x1E400] =	vst v63  }
0x59: {  	_ =	swait.ge [sflag:s15], $0x3E80  }
0x5a: {  	[sflag:s15] =	ssyncset.done $0x0  }
0x5b: {  	s17 =	sadd.s32 $0x100, s5;
	[sflag:s15] =	ssyncadd.s32 $0xFFFFC180  }
0x5c: {  	[tilespmem:s14], [sflag:$0x1] =	stream.indirect.gather [hbm4b:s1+s18], $0x80, s17, s18, $0x2000b8;
	[tilespmem:$0x1E400] =	vst v63  }
0x5d: {  	_ =	swait.ge [sflag:s29], $0x3E80  }
0x5e: {  	[sflag:s29] =	ssyncset.done $0x0  }
.Ltmp0:
0x5f: {  	s17 =	sadd.s32 $0x1480, s5;
	[sflag:s29] =	ssyncadd.s32 $0xFFFFC180;
	(pc) =	sbr.rel @p0 .LBB2_2-.Ltmp0, $4  }
0x60: {  	[spmem:s3] =	stream.indirect.scatter.add.f32 [tilespmem:s26], [sflag:$0x3], $0x80, s17, s18, $0x2000b8;
	[tilespmem:$0x1E400] =	vst v63  }
0x61: {  	_ =	swait.ge [sflag:s15], $0x3E80  }
0x62: {  	[sflag:s15] =	ssyncset.done $0x0  }
0x63: {  	s5 =	sadd.s32 $0x180, s5;
	[sflag:s15] =	ssyncadd.s32 $0xFFFFC180  }
0x64: {  	[tilespmem:s26], [sflag:$0x2] =	stream.indirect.gather [hbm4b:s1+s18], $0x80, s5, s18, $0x2000b8;
	[tilespmem:$0x1E400] =	vst v63  }
0x65: {  	_ =	swait.ge [sflag:s28], $0x3E80  }
0x66: {  	[sflag:s28] =	ssyncset.done $0x0  }
0x67: {  	[sflag:s28] =	ssyncadd.s32 $0xFFFFC180  }
0x68: {  	[spmem:s3] =	stream.indirect.scatter.add.f32 [tilespmem:s14], [sflag:$0x3], $0x80, s30, s18, $0x2000b8;
	[tilespmem:$0x1E400] =	vst v63  }
0x69: {  	_ =	swait.ge [sflag:s15], $0x3E80  }
0x6a: {  	[sflag:s15] =	ssyncset.done $0x0  }
0x6b: {  	[sflag:s15] =	ssyncadd.s32 $0xFFFFC180  }
0x6c: {  	_ =	swait.ge [sflag:s29], $0x3E80  }
0x6d: {  	[sflag:s29] =	ssyncset.done $0x0  }
0x6e: {  	[sflag:s29] =	ssyncadd.s32 $0xFFFFC180  }
0x6f: {  	[spmem:s3] =	stream.indirect.scatter.add.f32 [tilespmem:s26], [sflag:$0x3], $0x80, s31, s18, $0x2000b8;
	[tilespmem:$0x1E400] =	vst v63  }
0x70: {  	_ =	swait.ge [sflag:s15], $0x3E80  }
0x71: {  	[sflag:s15] =	ssyncset.done $0x0  }
0x72: {  	s0 =	sadd.s32 $0x280, s12;
	s5 =	simm.s32 $0x0;
	[sflag:s15] =	ssyncadd.s32 $0xFFFFC180  }
0x73: {  	[tilespmem:s5], [sflag:$0x3] =	stream.linear.gather [hbm4b:s0+s5], $0x1400, $0x200038;
	[tilespmem:$0x1E400] =	vst v63  }
0x74: {  	_ =	swait.ge [sflag:s15], $0x1400  }
0x75: {  	[sflag:s15] =	ssyncset.done $0x0  }
0x76: {  	s17 =	simm.s32 $0x1400;
	s0 =	sadd.s32 $0x280, s16;
	[sflag:s15] =	ssyncadd.s32 $0xFFFFEC00  }
0x77: {  	[tilespmem:s17], [sflag:$0x3] =	stream.linear.gather [hbm4b:s0+s5], $0x1400, $0x200038;
	[tilespmem:$0x1E400] =	vst v63  }
0x78: {  	_ =	swait.ge [sflag:s15], $0x1400  }
0x79: {  	[sflag:s15] =	ssyncset.done $0x0  }
0x7a: {  	[sflag:s15] =	ssyncadd.s32 $0xFFFFEC00  }
0x7b: {  	[tilespmem:s14], [sflag:$0x1] =	stream.indirect.gather [hbm4b:s1+s18], $0x80, s5, s18, $0x2000b8;
	[tilespmem:$0x1E400] =	vst v63  }
0x7c: {  	_ = 	snop  }
0x7d: {  	[tilespmem:s26], [sflag:$0x2] =	stream.indirect.gather [hbm4b:s1+s18], $0x80, s25, s18, $0x2000b8;
	[tilespmem:$0x1E400] =	vst v63  }
0x7e: {  	_ =	swait.ge [sflag:s28], $0x3E80  }
0x7f: {  	[sflag:s28] =	ssyncset.done $0x0  }
0x80: {  	s17 =	simm.s32 $0x1400;
	[sflag:s28] =	ssyncadd.s32 $0xFFFFC180  }
0x81: {  	[spmem:s3] =	stream.indirect.scatter.add.f32 [tilespmem:s14], [sflag:$0x3], $0x80, s17, s18, $0x2000b8;
	[tilespmem:$0x1E400] =	vst v63  }
0x82: {  	_ =	swait.ge [sflag:s15], $0x3E80  }
0x83: {  	[sflag:s15] =	ssyncset.done $0x0  }
0x84: {  	s5 =	simm.s32 $0x100;
	[sflag:s15] =	ssyncadd.s32 $0xFFFFC180  }
0x85: {  	[tilespmem:s14], [sflag:$0x1] =	stream.indirect.gather [hbm4b:s1+s18], $0x80, s5, s18, $0x2000b8;
	[tilespmem:$0x1E400] =	vst v63  }
0x86: {  	_ =	swait.ge [sflag:s29], $0x3E80  }
0x87: {  	[sflag:s29] =	ssyncset.done $0x0  }
0x88: {  	s17 =	simm.s32 $0x1480;
	[sflag:s29] =	ssyncadd.s32 $0xFFFFC180  }
0x89: {  	[spmem:s3] =	stream.indirect.scatter.add.f32 [tilespmem:s26], [sflag:$0x3], $0x80, s17, s18, $0x2000b8;
	[tilespmem:$0x1E400] =	vst v63  }
0x8a: {  	_ =	swait.ge [sflag:s15], $0x3E80  }
0x8b: {  	[sflag:s15] =	ssyncset.done $0x0  }
0x8c: {  	s0 =	simm.s32 $0x400;
	s5 =	simm.s32 $0x180;
	[sflag:s15] =	ssyncadd.s32 $0xFFFFC180  }
.LBB2_4:
0x8d: {  	[tilespmem:s26], [sflag:$0x2] =	stream.indirect.gather [hbm4b:s1+s18], $0x80, s5, s18, $0x2000b8;
	[tilespmem:$0x1E400] =	vst v63  }
0x8e: {  	s5 =	smov.u32 s0  }
0x8f: {  	p0 =	sne.s32 s0, $0x4800;
	s0 =	sadd.s32 $0x400, s0;
	_ =	swait.ge [sflag:s28], $0x3E80  }
0x90: {  	s5 =	sshra.s32 s5, $0x2;
	[sflag:s28] =	ssyncset.done $0x0  }
0x91: {  	s17 =	sadd.s32 $0x1400, s5;
	[sflag:s28] =	ssyncadd.s32 $0xFFFFC180  }
0x92: {  	[spmem:s3] =	stream.indirect.scatter.add.f32 [tilespmem:s14], [sflag:$0x3], $0x80, s17, s18, $0x2000b8;
	[tilespmem:$0x1E400] =	vst v63  }
0x93: {  	_ =	swait.ge [sflag:s15], $0x3E80  }
0x94: {  	[sflag:s15] =	ssyncset.done $0x0  }
0x95: {  	s17 =	sadd.s32 $0x100, s5;
	[sflag:s15] =	ssyncadd.s32 $0xFFFFC180  }
0x96: {  	[tilespmem:s14], [sflag:$0x1] =	stream.indirect.gather [hbm4b:s1+s18], $0x80, s17, s18, $0x2000b8;
	[tilespmem:$0x1E400] =	vst v63  }
0x97: {  	_ =	swait.ge [sflag:s29], $0x3E80  }
0x98: {  	[sflag:s29] =	ssyncset.done $0x0  }
.Ltmp1:
0x99: {  	s17 =	sadd.s32 $0x1480, s5;
	[sflag:s29] =	ssyncadd.s32 $0xFFFFC180;
	(pc) =	sbr.rel @p0 .LBB2_4-.Ltmp1, $4  }
0x9a: {  	[spmem:s3] =	stream.indirect.scatter.add.f32 [tilespmem:s26], [sflag:$0x3], $0x80, s17, s18, $0x2000b8;
	[tilespmem:$0x1E400] =	vst v63  }
0x9b: {  	_ =	swait.ge [sflag:s15], $0x3E80  }
0x9c: {  	[sflag:s15] =	ssyncset.done $0x0  }
0x9d: {  	s5 =	sadd.s32 $0x180, s5;
	[sflag:s15] =	ssyncadd.s32 $0xFFFFC180  }
0x9e: {  	[tilespmem:s26], [sflag:$0x2] =	stream.indirect.gather [hbm4b:s1+s18], $0x80, s5, s18, $0x2000b8;
	[tilespmem:$0x1E400] =	vst v63  }
0x9f: {  	_ =	swait.ge [sflag:s28], $0x3E80  }
0xa0: {  	[sflag:s28] =	ssyncset.done $0x0  }
0xa1: {  	[sflag:s28] =	ssyncadd.s32 $0xFFFFC180  }
0xa2: {  	[spmem:s3] =	stream.indirect.scatter.add.f32 [tilespmem:s14], [sflag:$0x3], $0x80, s30, s18, $0x2000b8;
	[tilespmem:$0x1E400] =	vst v63  }
0xa3: {  	_ =	swait.ge [sflag:s15], $0x3E80  }
0xa4: {  	[sflag:s15] =	ssyncset.done $0x0  }
0xa5: {  	[sflag:s15] =	ssyncadd.s32 $0xFFFFC180  }
0xa6: {  	_ =	swait.ge [sflag:s29], $0x3E80  }
0xa7: {  	[sflag:s29] =	ssyncset.done $0x0  }
0xa8: {  	[sflag:s29] =	ssyncadd.s32 $0xFFFFC180  }
0xa9: {  	[spmem:s3] =	stream.indirect.scatter.add.f32 [tilespmem:s26], [sflag:$0x3], $0x80, s31, s18, $0x2000b8;
	[tilespmem:$0x1E400] =	vst v63  }
0xaa: {  	_ =	swait.ge [sflag:s15], $0x3E80  }
0xab: {  	[sflag:s15] =	ssyncset.done $0x0  }
0xac: {  	[sflag:s15] =	ssyncadd.s32 $0xFFFFC180  }
0xad: {  	s0 =	stileid.u32;
	_ =	strace $0x90000049  }
0xae: {  	s0 =	sshll.u32 s0, $0x6;
	[bflag:$0x0] =	sbarrier.arrive $0xFFFF  }
0xaf: {  	s17 =	sshrl.u32 s6, $0x3;
	s0 =	sor.u32 $0x1C03, s0;
	_ =	strace $0x8000004A  }
0xb0: {  	[hbm:s19], [sflag:s0] =	dma.local [spmem:s17], $0x780  }
0xb1: {  	_ =	swait.ge [sflag:s15], $0x780  }
0xb2: {  	[sflag:s15] =	ssyncset.done $0x0  }
0xb3: {  	s17 =	sshrl.u32 s7, $0x3;
	[sflag:s15] =	ssyncadd.s32 $0xFFFFF880  }
0xb4: {  	[hbm:s20], [sflag:s0] =	dma.local [spmem:s17], $0x780  }
0xb5: {  	_ =	swait.ge [sflag:s15], $0x780  }
0xb6: {  	[sflag:s15] =	ssyncset.done $0x0  }
0xb7: {  	s17 =	sshrl.u32 s8, $0x3;
	[sflag:s15] =	ssyncadd.s32 $0xFFFFF880  }
0xb8: {  	[hbm:s21], [sflag:s0] =	dma.local [spmem:s17], $0x780  }
0xb9: {  	_ =	swait.ge [sflag:s15], $0x780  }
0xba: {  	[sflag:s15] =	ssyncset.done $0x0  }
0xbb: {  	s17 =	sshrl.u32 s9, $0x3;
	[sflag:s15] =	ssyncadd.s32 $0xFFFFF880  }
0xbc: {  	[hbm:s22], [sflag:s0] =	dma.local [spmem:s17], $0x780  }
0xbd: {  	_ =	swait.ge [sflag:s15], $0x780  }
0xbe: {  	[sflag:s15] =	ssyncset.done $0x0  }
0xbf: {  	s17 =	sshrl.u32 s10, $0x3;
	[sflag:s15] =	ssyncadd.s32 $0xFFFFF880  }
0xc0: {  	[hbm:s23], [sflag:s0] =	dma.local [spmem:s17], $0x780  }
0xc1: {  	_ =	swait.ge [sflag:s15], $0x780  }
0xc2: {  	s2 =	sadd.s32 $0x1, s2;
	[sflag:s15] =	ssyncset.done $0x0  }
0xc3: {  	p0 =	sne.s32 s2, s13;
	s17 =	sshrl.u32 s11, $0x3;
	[sflag:s15] =	ssyncadd.s32 $0xFFFFF880  }
0xc4: {  	[hbm:s24], [sflag:s0] =	dma.local [spmem:s17], $0x200  }
.Ltmp2:
0xc5: {  	_ = 	snop;
	(pc) =	sbr.rel @p0 .LBB2_1-.Ltmp2, $4  }
0xc6: {  	_ =	swait.ge [sflag:s15], $0x200  }
0xc7: {  	[sflag:s15] =	ssyncset.done $0x0  }
0xc8: {  	[sflag:s15] =	ssyncadd.s32 $0xFFFFFE00  }
0xc9: {  	_ =	strace $0x9000004A  }
0xca: {  	_ =	sfence.sel $0x180000  }
0xcb: {  	[bflag:$0x0] =	sbarrier.arrive $0xFFFF  }
0xcc: {  	_ =	strace $0x90000047  }
0xcd: {  	s0 =	stileid.u32;
	[bflag:$0x2] =	sbarrier.arrive $0xFFFF  }
0xce: {  	p0 =	sne.s32 s0, $0x0;
	s0 =	rddreg [dreg:$0x3]  }
0xcf: {  	s0 =	sadd.s32 @!p0 $0x100000, s0  }
0xd0: {  	[sflag:s0] =	ssyncadd.tile.s32 @!p0 $0x1;
	_ =	shalt  }
.Lfunc_end2:
_tile_overlayer_lowered:
.L_overlay_start_2:
0xd1: {  	(tag) =	ssettag $0x2  }
0xd2: {  	s0 =	rddreg [dreg:$0x0];
	s2 =	stileid.u32  }
0xd3: {  	s1 =	rddreg [dreg:$0x1];
	p0 =	sne.s32 s2, $0x0  }
0xd4: {  	s3 =	rddreg [dreg:$0x2];
	[bflag:$0x3] =	sbarrier.arrive $0xFFFF;
	s2 =	simm.s32 @!p0 $0x1C03  }
0xd5: {  	[timem:s3], [sflag:s2] =	dma.local @!p0 [hbm:s0], s1  }
0xd6: {  	s0 =	simm.s32 @!p0 $0x3  }
0xd7: {  	_ =	swait.ge @!p0 [sflag:s0], s1  }
0xd8: {  	s1 =	ssub.s32 @!p0 $0x0, s1;
	[sflag:s0] =	ssyncset.done @!p0 $0x0  }
0xd9: {  	[sflag:s0] =	ssyncadd.s32 @!p0 s1  }
0xda: {  	[bflag:$0x3] =	sbarrier.arrive $0xFFFF  }
0xdb: {  	_ =	shalt  }

</sc_bundles>
